<compile_context>
chip_gen: v7x
topology: tpu7x:2x2x1
jax: 0.10.2.dev20260603
libtpu: 0.0.44.dev20260713+nightly
codegen_flags: <defaults>
</compile_context>

<pallas_src>
import jax
import jax.numpy as jnp
from jax import lax
from jax.experimental import pallas as pl
from jax.experimental.pallas import tpu as pltpu
from jax.experimental.pallas import tpu_sc as plsc

_B = 16384
_D = 32
_NE = 1000000
_NC = 2
_NS = 16
_DPC = _D // _NC
_IPT = _B // _NS
_NRV = 1000
_RV_LINES = _NRV * _D // 128
_NW = _NC * _NS
_BPW = _B // _NW


def _partial(Et_hbm, rv_hbm, u_hbm, r_hbm, v_hbm, part_hbm,
             row_sh, uv_idx_v, r_idx_v, uv_val, acc, rv_l,
             sem_rv, sem_uv, sem_st):
    cid = lax.axis_index("c")
    sid = lax.axis_index("s")
    base = sid * _IPT

    crv = pltpu.async_copy(rv_hbm, rv_l, sem_rv)
    pltpu.sync_copy(u_hbm.at[pl.ds(base, _IPT)],
                    uv_idx_v.at[pl.ds(0, _IPT)])
    pltpu.sync_copy(v_hbm.at[pl.ds(base, _IPT)],
                    uv_idx_v.at[pl.ds(_IPT, _IPT)])
    pltpu.sync_copy(r_hbm.at[pl.ds(base, _IPT)], r_idx_v)

    for s in range(_IPT // 16):
        acc[pl.ds(s * 16, 16)] = jnp.zeros((16,), jnp.float32)
    crv.wait()

    three = jnp.full((16,), 3, jnp.int32)

    def fire_stage(d):
        @pl.when(sid == 0)
        def _stage():
            pltpu.async_copy(Et_hbm.at[d], row_sh, sem_st)

    def wait_stage(d):
        @pl.when(sid == 0)
        def _wait():
            pltpu.make_async_copy(Et_hbm.at[d], row_sh, sem_st).wait()

    fire_stage(cid * _DPC)

    def dim_body(k, carry):
        d = cid * _DPC + k
        wait_stage(d)
        plsc.subcore_barrier()

        cuv = pltpu.async_copy(row_sh.at[uv_idx_v], uv_val, sem_uv)
        cuv.wait()
        plsc.subcore_barrier()

        @pl.when(k + 1 < _DPC)
        def _prefetch():
            fire_stage(d + 1)

        def slice_body(s, carry2, d=d):
            sl = pl.ds(s * 16, 16)
            ridx = r_idx_v[sl]
            rline = lax.shift_right_logical(ridx, 2)
            rcol = lax.shift_left(jnp.bitwise_and(ridx, three), 5) + d
            rd = plsc.load_gather(rv_l, [rline, rcol])
            t = uv_val[sl] - (uv_val[pl.ds(_IPT + s * 16, 16)] + rd)
            acc[sl] = acc[sl] + t * t
            return carry2

        lax.fori_loop(0, _IPT // 16, slice_body, 0)
        return carry

    lax.fori_loop(0, _DPC, dim_body, 0)

    pltpu.sync_copy(acc, part_hbm.at[cid, pl.ds(base, _IPT)])


def _combine(part_hbm, out_hbm, p0_v, p1_v, out_v):
    wid = lax.axis_index("s") * _NC + lax.axis_index("c")
    base = wid * _BPW
    pltpu.sync_copy(part_hbm.at[0, pl.ds(base, _BPW)], p0_v)
    pltpu.sync_copy(part_hbm.at[1, pl.ds(base, _BPW)], p1_v)
    for s in range(_BPW // 16):
        sl = pl.ds(s * 16, 16)
        out_v[sl] = -(p0_v[sl] + p1_v[sl])
    pltpu.sync_copy(out_v, out_hbm.at[pl.ds(base, _BPW)])


@jax.jit
def kernel(E, rv, u_idx, r_idx, v_idx):
    Et = E.T
    rv_lines = rv.reshape(-1, 128)
    mesh = plsc.VectorSubcoreMesh(core_axis_name="c", subcore_axis_name="s")

    partial = pl.kernel(
        _partial,
        out_type=jax.ShapeDtypeStruct((_NC, _B), jnp.float32),
        mesh=mesh,
        compiler_params=pltpu.CompilerParams(needs_layout_passes=False),
        scratch_types=[
            pltpu.VMEM_SHARED((_NE,), jnp.float32),
            pltpu.VMEM((2 * _IPT,), jnp.int32),
            pltpu.VMEM((_IPT,), jnp.int32),
            pltpu.VMEM((2 * _IPT,), jnp.float32),
            pltpu.VMEM((_IPT,), jnp.float32),
            pltpu.VMEM((_RV_LINES, 128), jnp.float32),
            pltpu.SemaphoreType.DMA,
            pltpu.SemaphoreType.DMA,
            pltpu.SemaphoreType.DMA,
        ],
    )
    part = partial(Et, rv_lines, u_idx, r_idx, v_idx)

    combine = pl.kernel(
        _combine,
        out_type=jax.ShapeDtypeStruct((_B,), jnp.float32),
        mesh=mesh,
        compiler_params=pltpu.CompilerParams(needs_layout_passes=False),
        scratch_types=[
            pltpu.VMEM((_BPW,), jnp.float32),
            pltpu.VMEM((_BPW,), jnp.float32),
            pltpu.VMEM((_BPW,), jnp.float32),
        ],
    )
    return combine(part)

# --- scband reference (transcript-rebuilt; emitter-appended) ---
"""Pipeline reference for scband-mu-re-trans-e-86053964742870 (READ-ONLY COPY).

The authoritative reference and input builder live on the scoring server;
editing this copy changes nothing except your own understanding.
"""

import jax, jax.numpy as jnp
import numpy as np

NUM_ENTITIES = 1000000
NUM_RELATIONS = 1000
DIM = 32
BATCH = 16384

def setup_inputs(seed: int = 0) -> dict:
    key = jax.random.key(seed)
    k1, k2, k3, k4, k5 = jax.random.split(key, 5)
    E = jax.random.normal(k1, (NUM_ENTITIES, DIM), dtype=jnp.float32)
    rv = jax.random.normal(k2, (NUM_RELATIONS, DIM), dtype=jnp.float32)
    # padding_idx=0 rows are zero in torch nn.Embedding semantics only when left at init;
    # original code overwrites with randn, so tables are fully random here as well.
    u_idx = jax.random.randint(k3, (BATCH,), 0, NUM_ENTITIES, dtype=jnp.int64) if jax.config.jax_enable_x64 else jax.random.randint(k3, (BATCH,), 0, NUM_ENTITIES, dtype=jnp.int32)
    r_idx = jax.random.randint(k4, (BATCH,), 0, NUM_RELATIONS, dtype=jnp.int32)
    v_idx = jax.random.randint(k5, (BATCH,), 0, NUM_ENTITIES, dtype=jnp.int32)
    u_idx = u_idx.astype(jnp.int32)
    return {"E": E, "rv": rv, "u_idx": u_idx, "r_idx": r_idx, "v_idx": v_idx}

def reference(E, rv, u_idx, r_idx, v_idx):
    # Faithful translation of MuRE_TransE.forward
    u = jnp.take(E, u_idx, axis=0)          # [B, dim] gather
    v = jnp.take(E, v_idx, axis=0)          # [B, dim] gather
    rvec = jnp.take(rv, r_idx, axis=0)      # [B, dim] gather
    sqdist = jnp.sum(jnp.power(u - (v + rvec), 2), axis=-1)
    return -sqdist

if __name__ == "__main__":
    import jax
    _d = setup_inputs()
    print(jax.jit(kernel)(*tuple(_d.values())))

</pallas_src>

<mosaic_0001>
#map = affine_map<(d0, d1) -> (0, 0)>
#map1 = affine_map<(d0, d1) -> (0)>
module attributes {stable_mosaic.version = 14 : i64} {
  func.func @_combine(%arg0: i32, %arg1: i32, %arg2: memref<2x16384xf32, #tpu.memory_space<hbm>>, %arg3: memref<16384xf32, #tpu.memory_space<hbm>>, %arg4: memref<512xf32, #tpu.memory_space<vmem>>, %arg5: memref<512xf32, #tpu.memory_space<vmem>>, %arg6: memref<512xf32, #tpu.memory_space<vmem>>) attributes {dimension_semantics = [#tpu.dimension_semantics<core_parallel>, #tpu.dimension_semantics<subcore_parallel>], iteration_bounds = array<i64: 2, 16>, scalar_prefetch = 0 : i64, scratch_operands = 3 : i64, tpu.core_type = #tpu.core_type<sc_vector_subcore>, window_params = [{transform_indices = #map}, {transform_indices = #map1}]} {
    %mul3A = arith.constant 2 : i32
    %mul3A_0 = arith.muli %arg1, %mul3A : i32
    %add3A = arith.addi %mul3A_0, %arg0 : i32
    %mul3A_1 = arith.constant 512 : i32
    %mul3A_2 = arith.muli %add3A, %mul3A_1 : i32
    %run_scoped3A = arith.constant 0 : i32
    "tpu.region"() ({
      %run_scoped3A_321 = tpu.sem_alloc : memref<!tpu.dma_semaphore, #tpu.memory_space<semaphore_mem>>
      %dma_start3A = tpu.memref_slice %arg2[%run_scoped3A, %mul3A_2] : memref<2x16384xf32, #tpu.memory_space<hbm>> -> memref<1x512xf32, #tpu.memory_space<hbm>>
      %dma_start3A_322 = tpu.memref_squeeze %dma_start3A : memref<1x512xf32, #tpu.memory_space<hbm>> -> memref<512xf32, #tpu.memory_space<hbm>>
      %dma_start3A_323 = tpu.memref_slice %arg2[%run_scoped3A, %mul3A_2] : memref<2x16384xf32, #tpu.memory_space<hbm>> -> memref<1x512xf32, #tpu.memory_space<hbm>>
      %dma_start3A_324 = tpu.memref_squeeze %dma_start3A_323 : memref<1x512xf32, #tpu.memory_space<hbm>> -> memref<512xf32, #tpu.memory_space<hbm>>
      tpu.enqueue_dma source(%dma_start3A_324 : memref<512xf32, #tpu.memory_space<hbm>>) target(%arg4 : memref<512xf32, #tpu.memory_space<vmem>>) target_semaphore(%run_scoped3A_321 : memref<!tpu.dma_semaphore, #tpu.memory_space<semaphore_mem>>)
      %dma_wait3A = tpu.memref_slice %arg2[%run_scoped3A, %mul3A_2] : memref<2x16384xf32, #tpu.memory_space<hbm>> -> memref<1x512xf32, #tpu.memory_space<hbm>>
      %dma_wait3A_325 = tpu.memref_squeeze %dma_wait3A : memref<1x512xf32, #tpu.memory_space<hbm>> -> memref<512xf32, #tpu.memory_space<hbm>>
      %dma_wait3A_326 = tpu.memref_slice %arg2[%run_scoped3A, %mul3A_2] : memref<2x16384xf32, #tpu.memory_space<hbm>> -> memref<1x512xf32, #tpu.memory_space<hbm>>
      %dma_wait3A_327 = tpu.memref_squeeze %dma_wait3A_326 : memref<1x512xf32, #tpu.memory_space<hbm>> -> memref<512xf32, #tpu.memory_space<hbm>>
      tpu.wait_dma2 semaphore(%run_scoped3A_321 : memref<!tpu.dma_semaphore, #tpu.memory_space<semaphore_mem>>) src(%dma_wait3A_327 : memref<512xf32, #tpu.memory_space<hbm>>) dst(%arg4 : memref<512xf32, #tpu.memory_space<vmem>>)
      tpu.yield
    }) : () -> ()
    %run_scoped3A_3 = arith.constant 1 : i32
    "tpu.region"() ({
      %run_scoped3A_321 = tpu.sem_alloc : memref<!tpu.dma_semaphore, #tpu.memory_space<semaphore_mem>>
      %dma_start3A = tpu.memref_slice %arg2[%run_scoped3A_3, %mul3A_2] : memref<2x16384xf32, #tpu.memory_space<hbm>> -> memref<1x512xf32, #tpu.memory_space<hbm>>
      %dma_start3A_322 = tpu.memref_squeeze %dma_start3A : memref<1x512xf32, #tpu.memory_space<hbm>> -> memref<512xf32, #tpu.memory_space<hbm>>
      %dma_start3A_323 = tpu.memref_slice %arg2[%run_scoped3A_3, %mul3A_2] : memref<2x16384xf32, #tpu.memory_space<hbm>> -> memref<1x512xf32, #tpu.memory_space<hbm>>
      %dma_start3A_324 = tpu.memref_squeeze %dma_start3A_323 : memref<1x512xf32, #tpu.memory_space<hbm>> -> memref<512xf32, #tpu.memory_space<hbm>>
      tpu.enqueue_dma source(%dma_start3A_324 : memref<512xf32, #tpu.memory_space<hbm>>) target(%arg5 : memref<512xf32, #tpu.memory_space<vmem>>) target_semaphore(%run_scoped3A_321 : memref<!tpu.dma_semaphore, #tpu.memory_space<semaphore_mem>>)
      %dma_wait3A = tpu.memref_slice %arg2[%run_scoped3A_3, %mul3A_2] : memref<2x16384xf32, #tpu.memory_space<hbm>> -> memref<1x512xf32, #tpu.memory_space<hbm>>
      %dma_wait3A_325 = tpu.memref_squeeze %dma_wait3A : memref<1x512xf32, #tpu.memory_space<hbm>> -> memref<512xf32, #tpu.memory_space<hbm>>
      %dma_wait3A_326 = tpu.memref_slice %arg2[%run_scoped3A_3, %mul3A_2] : memref<2x16384xf32, #tpu.memory_space<hbm>> -> memref<1x512xf32, #tpu.memory_space<hbm>>
      %dma_wait3A_327 = tpu.memref_squeeze %dma_wait3A_326 : memref<1x512xf32, #tpu.memory_space<hbm>> -> memref<512xf32, #tpu.memory_space<hbm>>
      tpu.wait_dma2 semaphore(%run_scoped3A_321 : memref<!tpu.dma_semaphore, #tpu.memory_space<semaphore_mem>>) src(%dma_wait3A_327 : memref<512xf32, #tpu.memory_space<hbm>>) dst(%arg5 : memref<512xf32, #tpu.memory_space<vmem>>)
      tpu.yield
    }) : () -> ()
    %get3A = arith.constant 0 : index
    %get3A_4 = tpu.vector_load %arg4[%get3A] {strides = array<i32>} : memref<512xf32, #tpu.memory_space<vmem>>, vector<16xf32>,
    %get3A_5 = arith.constant 0 : index
    %get3A_6 = tpu.vector_load %arg5[%get3A_5] {strides = array<i32>} : memref<512xf32, #tpu.memory_space<vmem>>, vector<16xf32>,
    %add3A_7 = arith.addf %get3A_4, %get3A_6 : vector<16xf32>
    %neg3A = arith.constant 0.000000e+00 : f32
    %neg3A_8 = vector.broadcast %neg3A : f32 to vector<16xf32>
    %neg3A_9 = arith.subf %neg3A_8, %add3A_7 : vector<16xf32>
    %swap3A = arith.constant 0 : index
    %swap3A_10 = tpu.vector_load %arg6[%swap3A] {strides = array<i32>} : memref<512xf32, #tpu.memory_space<vmem>>, vector<16xf32>,
    tpu.vector_store %arg6[%swap3A], %neg3A_9 {strides = array<i32>} : memref<512xf32, #tpu.memory_space<vmem>>, vector<16xf32>,
    %get3A_11 = arith.constant 16 : index
    %get3A_12 = tpu.vector_load %arg4[%get3A_11] {strides = array<i32>} : memref<512xf32, #tpu.memory_space<vmem>>, vector<16xf32>,
    %get3A_13 = arith.constant 16 : index
    %get3A_14 = tpu.vector_load %arg5[%get3A_13] {strides = array<i32>} : memref<512xf32, #tpu.memory_space<vmem>>, vector<16xf32>,
    %add3A_15 = arith.addf %get3A_12, %get3A_14 : vector<16xf32>
    %neg3A_16 = arith.constant 0.000000e+00 : f32
    %neg3A_17 = vector.broadcast %neg3A_16 : f32 to vector<16xf32>
    %neg3A_18 = arith.subf %neg3A_17, %add3A_15 : vector<16xf32>
    %swap3A_19 = arith.constant 16 : index
    %swap3A_20 = tpu.vector_load %arg6[%swap3A_19] {strides = array<i32>} : memref<512xf32, #tpu.memory_space<vmem>>, vector<16xf32>,
    tpu.vector_store %arg6[%swap3A_19], %neg3A_18 {strides = array<i32>} : memref<512xf32, #tpu.memory_space<vmem>>, vector<16xf32>,
    %get3A_21 = arith.constant 32 : index
    %get3A_22 = tpu.vector_load %arg4[%get3A_21] {strides = array<i32>} : memref<512xf32, #tpu.memory_space<vmem>>, vector<16xf32>,
    %get3A_23 = arith.constant 32 : index
    %get3A_24 = tpu.vector_load %arg5[%get3A_23] {strides = array<i32>} : memref<512xf32, #tpu.memory_space<vmem>>, vector<16xf32>,
    %add3A_25 = arith.addf %get3A_22, %get3A_24 : vector<16xf32>
    %neg3A_26 = arith.constant 0.000000e+00 : f32
    %neg3A_27 = vector.broadcast %neg3A_26 : f32 to vector<16xf32>
    %neg3A_28 = arith.subf %neg3A_27, %add3A_25 : vector<16xf32>
    %swap3A_29 = arith.constant 32 : index
    %swap3A_30 = tpu.vector_load %arg6[%swap3A_29] {strides = array<i32>} : memref<512xf32, #tpu.memory_space<vmem>>, vector<16xf32>,
    tpu.vector_store %arg6[%swap3A_29], %neg3A_28 {strides = array<i32>} : memref<512xf32, #tpu.memory_space<vmem>>, vector<16xf32>,
    %get3A_31 = arith.constant 48 : index
    %get3A_32 = tpu.vector_load %arg4[%get3A_31] {strides = array<i32>} : memref<512xf32, #tpu.memory_space<vmem>>, vector<16xf32>,
    %get3A_33 = arith.constant 48 : index
    %get3A_34 = tpu.vector_load %arg5[%get3A_33] {strides = array<i32>} : memref<512xf32, #tpu.memory_space<vmem>>, vector<16xf32>,
    %add3A_35 = arith.addf %get3A_32, %get3A_34 : vector<16xf32>
    %neg3A_36 = arith.constant 0.000000e+00 : f32
    %neg3A_37 = vector.broadcast %neg3A_36 : f32 to vector<16xf32>
    %neg3A_38 = arith.subf %neg3A_37, %add3A_35 : vector<16xf32>
    %swap3A_39 = arith.constant 48 : index
    %swap3A_40 = tpu.vector_load %arg6[%swap3A_39] {strides = array<i32>} : memref<512xf32, #tpu.memory_space<vmem>>, vector<16xf32>,
    tpu.vector_store %arg6[%swap3A_39], %neg3A_38 {strides = array<i32>} : memref<512xf32, #tpu.memory_space<vmem>>, vector<16xf32>,
    %get3A_41 = arith.constant 64 : index
    %get3A_42 = tpu.vector_load %arg4[%get3A_41] {strides = array<i32>} : memref<512xf32, #tpu.memory_space<vmem>>, vector<16xf32>,
    %get3A_43 = arith.constant 64 : index
    %get3A_44 = tpu.vector_load %arg5[%get3A_43] {strides = array<i32>} : memref<512xf32, #tpu.memory_space<vmem>>, vector<16xf32>,
    %add3A_45 = arith.addf %get3A_42, %get3A_44 : vector<16xf32>
    %neg3A_46 = arith.constant 0.000000e+00 : f32
    %neg3A_47 = vector.broadcast %neg3A_46 : f32 to vector<16xf32>
    %neg3A_48 = arith.subf %neg3A_47, %add3A_45 : vector<16xf32>
    %swap3A_49 = arith.constant 64 : index
    %swap3A_50 = tpu.vector_load %arg6[%swap3A_49] {strides = array<i32>} : memref<512xf32, #tpu.memory_space<vmem>>, vector<16xf32>,
    tpu.vector_store %arg6[%swap3A_49], %neg3A_48 {strides = array<i32>} : memref<512xf32, #tpu.memory_space<vmem>>, vector<16xf32>,
    %get3A_51 = arith.constant 80 : index
    %get3A_52 = tpu.vector_load %arg4[%get3A_51] {strides = array<i32>} : memref<512xf32, #tpu.memory_space<vmem>>, vector<16xf32>,
    %get3A_53 = arith.constant 80 : index
    %get3A_54 = tpu.vector_load %arg5[%get3A_53] {strides = array<i32>} : memref<512xf32, #tpu.memory_space<vmem>>, vector<16xf32>,
    %add3A_55 = arith.addf %get3A_52, %get3A_54 : vector<16xf32>
    %neg3A_56 = arith.constant 0.000000e+00 : f32
    %neg3A_57 = vector.broadcast %neg3A_56 : f32 to vector<16xf32>
    %neg3A_58 = arith.subf %neg3A_57, %add3A_55 : vector<16xf32>
    %swap3A_59 = arith.constant 80 : index
    %swap3A_60 = tpu.vector_load %arg6[%swap3A_59] {strides = array<i32>} : memref<512xf32, #tpu.memory_space<vmem>>, vector<16xf32>,
    tpu.vector_store %arg6[%swap3A_59], %neg3A_58 {strides = array<i32>} : memref<512xf32, #tpu.memory_space<vmem>>, vector<16xf32>,
    %get3A_61 = arith.constant 96 : index
    %get3A_62 = tpu.vector_load %arg4[%get3A_61] {strides = array<i32>} : memref<512xf32, #tpu.memory_space<vmem>>, vector<16xf32>,
    %get3A_63 = arith.constant 96 : index
    %get3A_64 = tpu.vector_load %arg5[%get3A_63] {strides = array<i32>} : memref<512xf32, #tpu.memory_space<vmem>>, vector<16xf32>,
    %add3A_65 = arith.addf %get3A_62, %get3A_64 : vector<16xf32>
    %neg3A_66 = arith.constant 0.000000e+00 : f32
    %neg3A_67 = vector.broadcast %neg3A_66 : f32 to vector<16xf32>
    %neg3A_68 = arith.subf %neg3A_67, %add3A_65 : vector<16xf32>
    %swap3A_69 = arith.constant 96 : index
    %swap3A_70 = tpu.vector_load %arg6[%swap3A_69] {strides = array<i32>} : memref<512xf32, #tpu.memory_space<vmem>>, vector<16xf32>,
    tpu.vector_store %arg6[%swap3A_69], %neg3A_68 {strides = array<i32>} : memref<512xf32, #tpu.memory_space<vmem>>, vector<16xf32>,
    %get3A_71 = arith.constant 112 : index
    %get3A_72 = tpu.vector_load %arg4[%get3A_71] {strides = array<i32>} : memref<512xf32, #tpu.memory_space<vmem>>, vector<16xf32>,
    %get3A_73 = arith.constant 112 : index
    %get3A_74 = tpu.vector_load %arg5[%get3A_73] {strides = array<i32>} : memref<512xf32, #tpu.memory_space<vmem>>, vector<16xf32>,
    %add3A_75 = arith.addf %get3A_72, %get3A_74 : vector<16xf32>
    %neg3A_76 = arith.constant 0.000000e+00 : f32
    %neg3A_77 = vector.broadcast %neg3A_76 : f32 to vector<16xf32>
    %neg3A_78 = arith.subf %neg3A_77, %add3A_75 : vector<16xf32>
    %swap3A_79 = arith.constant 112 : index
    %swap3A_80 = tpu.vector_load %arg6[%swap3A_79] {strides = array<i32>} : memref<512xf32, #tpu.memory_space<vmem>>, vector<16xf32>,
    tpu.vector_store %arg6[%swap3A_79], %neg3A_78 {strides = array<i32>} : memref<512xf32, #tpu.memory_space<vmem>>, vector<16xf32>,
    %get3A_81 = arith.constant 128 : index
    %get3A_82 = tpu.vector_load %arg4[%get3A_81] {strides = array<i32>} : memref<512xf32, #tpu.memory_space<vmem>>, vector<16xf32>,
    %get3A_83 = arith.constant 128 : index
    %get3A_84 = tpu.vector_load %arg5[%get3A_83] {strides = array<i32>} : memref<512xf32, #tpu.memory_space<vmem>>, vector<16xf32>,
    %add3A_85 = arith.addf %get3A_82, %get3A_84 : vector<16xf32>
    %neg3A_86 = arith.constant 0.000000e+00 : f32
    %neg3A_87 = vector.broadcast %neg3A_86 : f32 to vector<16xf32>
    %neg3A_88 = arith.subf %neg3A_87, %add3A_85 : vector<16xf32>
    %swap3A_89 = arith.constant 128 : index
    %swap3A_90 = tpu.vector_load %arg6[%swap3A_89] {strides = array<i32>} : memref<512xf32, #tpu.memory_space<vmem>>, vector<16xf32>,
    tpu.vector_store %arg6[%swap3A_89], %neg3A_88 {strides = array<i32>} : memref<512xf32, #tpu.memory_space<vmem>>, vector<16xf32>,
    %get3A_91 = arith.constant 144 : index
    %get3A_92 = tpu.vector_load %arg4[%get3A_91] {strides = array<i32>} : memref<512xf32, #tpu.memory_space<vmem>>, vector<16xf32>,
    %get3A_93 = arith.constant 144 : index
    %get3A_94 = tpu.vector_load %arg5[%get3A_93] {strides = array<i32>} : memref<512xf32, #tpu.memory_space<vmem>>, vector<16xf32>,
    %add3A_95 = arith.addf %get3A_92, %get3A_94 : vector<16xf32>
    %neg3A_96 = arith.constant 0.000000e+00 : f32
    %neg3A_97 = vector.broadcast %neg3A_96 : f32 to vector<16xf32>
    %neg3A_98 = arith.subf %neg3A_97, %add3A_95 : vector<16xf32>
    %swap3A_99 = arith.constant 144 : index
    %swap3A_100 = tpu.vector_load %arg6[%swap3A_99] {strides = array<i32>} : memref<512xf32, #tpu.memory_space<vmem>>, vector<16xf32>,
    tpu.vector_store %arg6[%swap3A_99], %neg3A_98 {strides = array<i32>} : memref<512xf32, #tpu.memory_space<vmem>>, vector<16xf32>,
    %get3A_101 = arith.constant 160 : index
    %get3A_102 = tpu.vector_load %arg4[%get3A_101] {strides = array<i32>} : memref<512xf32, #tpu.memory_space<vmem>>, vector<16xf32>,
    %get3A_103 = arith.constant 160 : index
    %get3A_104 = tpu.vector_load %arg5[%get3A_103] {strides = array<i32>} : memref<512xf32, #tpu.memory_space<vmem>>, vector<16xf32>,
    %add3A_105 = arith.addf %get3A_102, %get3A_104 : vector<16xf32>
    %neg3A_106 = arith.constant 0.000000e+00 : f32
    %neg3A_107 = vector.broadcast %neg3A_106 : f32 to vector<16xf32>
    %neg3A_108 = arith.subf %neg3A_107, %add3A_105 : vector<16xf32>
    %swap3A_109 = arith.constant 160 : index
    %swap3A_110 = tpu.vector_load %arg6[%swap3A_109] {strides = array<i32>} : memref<512xf32, #tpu.memory_space<vmem>>, vector<16xf32>,
    tpu.vector_store %arg6[%swap3A_109], %neg3A_108 {strides = array<i32>} : memref<512xf32, #tpu.memory_space<vmem>>, vector<16xf32>,
    %get3A_111 = arith.constant 176 : index
    %get3A_112 = tpu.vector_load %arg4[%get3A_111] {strides = array<i32>} : memref<512xf32, #tpu.memory_space<vmem>>, vector<16xf32>,
    %get3A_113 = arith.constant 176 : index
    %get3A_114 = tpu.vector_load %arg5[%get3A_113] {strides = array<i32>} : memref<512xf32, #tpu.memory_space<vmem>>, vector<16xf32>,
    %add3A_115 = arith.addf %get3A_112, %get3A_114 : vector<16xf32>
    %neg3A_116 = arith.constant 0.000000e+00 : f32
    %neg3A_117 = vector.broadcast %neg3A_116 : f32 to vector<16xf32>
    %neg3A_118 = arith.subf %neg3A_117, %add3A_115 : vector<16xf32>
    %swap3A_119 = arith.constant 176 : index
    %swap3A_120 = tpu.vector_load %arg6[%swap3A_119] {strides = array<i32>} : memref<512xf32, #tpu.memory_space<vmem>>, vector<16xf32>,
    tpu.vector_store %arg6[%swap3A_119], %neg3A_118 {strides = array<i32>} : memref<512xf32, #tpu.memory_space<vmem>>, vector<16xf32>,
    %get3A_121 = arith.constant 192 : index
    %get3A_122 = tpu.vector_load %arg4[%get3A_121] {strides = array<i32>} : memref<512xf32, #tpu.memory_space<vmem>>, vector<16xf32>,
    %get3A_123 = arith.constant 192 : index
    %get3A_124 = tpu.vector_load %arg5[%get3A_123] {strides = array<i32>} : memref<512xf32, #tpu.memory_space<vmem>>, vector<16xf32>,
    %add3A_125 = arith.addf %get3A_122, %get3A_124 : vector<16xf32>
    %neg3A_126 = arith.constant 0.000000e+00 : f32
    %neg3A_127 = vector.broadcast %neg3A_126 : f32 to vector<16xf32>
    %neg3A_128 = arith.subf %neg3A_127, %add3A_125 : vector<16xf32>
    %swap3A_129 = arith.constant 192 : index
    %swap3A_130 = tpu.vector_load %arg6[%swap3A_129] {strides = array<i32>} : memref<512xf32, #tpu.memory_space<vmem>>, vector<16xf32>,
    tpu.vector_store %arg6[%swap3A_129], %neg3A_128 {strides = array<i32>} : memref<512xf32, #tpu.memory_space<vmem>>, vector<16xf32>,
    %get3A_131 = arith.constant 208 : index
    %get3A_132 = tpu.vector_load %arg4[%get3A_131] {strides = array<i32>} : memref<512xf32, #tpu.memory_space<vmem>>, vector<16xf32>,
    %get3A_133 = arith.constant 208 : index
    %get3A_134 = tpu.vector_load %arg5[%get3A_133] {strides = array<i32>} : memref<512xf32, #tpu.memory_space<vmem>>, vector<16xf32>,
    %add3A_135 = arith.addf %get3A_132, %get3A_134 : vector<16xf32>
    %neg3A_136 = arith.constant 0.000000e+00 : f32
    %neg3A_137 = vector.broadcast %neg3A_136 : f32 to vector<16xf32>
    %neg3A_138 = arith.subf %neg3A_137, %add3A_135 : vector<16xf32>
    %swap3A_139 = arith.constant 208 : index
    %swap3A_140 = tpu.vector_load %arg6[%swap3A_139] {strides = array<i32>} : memref<512xf32, #tpu.memory_space<vmem>>, vector<16xf32>,
    tpu.vector_store %arg6[%swap3A_139], %neg3A_138 {strides = array<i32>} : memref<512xf32, #tpu.memory_space<vmem>>, vector<16xf32>,
    %get3A_141 = arith.constant 224 : index
    %get3A_142 = tpu.vector_load %arg4[%get3A_141] {strides = array<i32>} : memref<512xf32, #tpu.memory_space<vmem>>, vector<16xf32>,
    %get3A_143 = arith.constant 224 : index
    %get3A_144 = tpu.vector_load %arg5[%get3A_143] {strides = array<i32>} : memref<512xf32, #tpu.memory_space<vmem>>, vector<16xf32>,
    %add3A_145 = arith.addf %get3A_142, %get3A_144 : vector<16xf32>
    %neg3A_146 = arith.constant 0.000000e+00 : f32
    %neg3A_147 = vector.broadcast %neg3A_146 : f32 to vector<16xf32>
    %neg3A_148 = arith.subf %neg3A_147, %add3A_145 : vector<16xf32>
    %swap3A_149 = arith.constant 224 : index
    %swap3A_150 = tpu.vector_load %arg6[%swap3A_149] {strides = array<i32>} : memref<512xf32, #tpu.memory_space<vmem>>, vector<16xf32>,
    tpu.vector_store %arg6[%swap3A_149], %neg3A_148 {strides = array<i32>} : memref<512xf32, #tpu.memory_space<vmem>>, vector<16xf32>,
    %get3A_151 = arith.constant 240 : index
    %get3A_152 = tpu.vector_load %arg4[%get3A_151] {strides = array<i32>} : memref<512xf32, #tpu.memory_space<vmem>>, vector<16xf32>,
    %get3A_153 = arith.constant 240 : index
    %get3A_154 = tpu.vector_load %arg5[%get3A_153] {strides = array<i32>} : memref<512xf32, #tpu.memory_space<vmem>>, vector<16xf32>,
    %add3A_155 = arith.addf %get3A_152, %get3A_154 : vector<16xf32>
    %neg3A_156 = arith.constant 0.000000e+00 : f32
    %neg3A_157 = vector.broadcast %neg3A_156 : f32 to vector<16xf32>
    %neg3A_158 = arith.subf %neg3A_157, %add3A_155 : vector<16xf32>
    %swap3A_159 = arith.constant 240 : index
    %swap3A_160 = tpu.vector_load %arg6[%swap3A_159] {strides = array<i32>} : memref<512xf32, #tpu.memory_space<vmem>>, vector<16xf32>,
    tpu.vector_store %arg6[%swap3A_159], %neg3A_158 {strides = array<i32>} : memref<512xf32, #tpu.memory_space<vmem>>, vector<16xf32>,
    %get3A_161 = arith.constant 256 : index
    %get3A_162 = tpu.vector_load %arg4[%get3A_161] {strides = array<i32>} : memref<512xf32, #tpu.memory_space<vmem>>, vector<16xf32>,
    %get3A_163 = arith.constant 256 : index
    %get3A_164 = tpu.vector_load %arg5[%get3A_163] {strides = array<i32>} : memref<512xf32, #tpu.memory_space<vmem>>, vector<16xf32>,
    %add3A_165 = arith.addf %get3A_162, %get3A_164 : vector<16xf32>
    %neg3A_166 = arith.constant 0.000000e+00 : f32
    %neg3A_167 = vector.broadcast %neg3A_166 : f32 to vector<16xf32>
    %neg3A_168 = arith.subf %neg3A_167, %add3A_165 : vector<16xf32>
    %swap3A_169 = arith.constant 256 : index
    %swap3A_170 = tpu.vector_load %arg6[%swap3A_169] {strides = array<i32>} : memref<512xf32, #tpu.memory_space<vmem>>, vector<16xf32>,
    tpu.vector_store %arg6[%swap3A_169], %neg3A_168 {strides = array<i32>} : memref<512xf32, #tpu.memory_space<vmem>>, vector<16xf32>,
    %get3A_171 = arith.constant 272 : index
    %get3A_172 = tpu.vector_load %arg4[%get3A_171] {strides = array<i32>} : memref<512xf32, #tpu.memory_space<vmem>>, vector<16xf32>,
    %get3A_173 = arith.constant 272 : index
    %get3A_174 = tpu.vector_load %arg5[%get3A_173] {strides = array<i32>} : memref<512xf32, #tpu.memory_space<vmem>>, vector<16xf32>,
    %add3A_175 = arith.addf %get3A_172, %get3A_174 : vector<16xf32>
    %neg3A_176 = arith.constant 0.000000e+00 : f32
    %neg3A_177 = vector.broadcast %neg3A_176 : f32 to vector<16xf32>
    %neg3A_178 = arith.subf %neg3A_177, %add3A_175 : vector<16xf32>
    %swap3A_179 = arith.constant 272 : index
    %swap3A_180 = tpu.vector_load %arg6[%swap3A_179] {strides = array<i32>} : memref<512xf32, #tpu.memory_space<vmem>>, vector<16xf32>,
    tpu.vector_store %arg6[%swap3A_179], %neg3A_178 {strides = array<i32>} : memref<512xf32, #tpu.memory_space<vmem>>, vector<16xf32>,
    %get3A_181 = arith.constant 288 : index
    %get3A_182 = tpu.vector_load %arg4[%get3A_181] {strides = array<i32>} : memref<512xf32, #tpu.memory_space<vmem>>, vector<16xf32>,
    %get3A_183 = arith.constant 288 : index
    %get3A_184 = tpu.vector_load %arg5[%get3A_183] {strides = array<i32>} : memref<512xf32, #tpu.memory_space<vmem>>, vector<16xf32>,
    %add3A_185 = arith.addf %get3A_182, %get3A_184 : vector<16xf32>
    %neg3A_186 = arith.constant 0.000000e+00 : f32
    %neg3A_187 = vector.broadcast %neg3A_186 : f32 to vector<16xf32>
    %neg3A_188 = arith.subf %neg3A_187, %add3A_185 : vector<16xf32>
    %swap3A_189 = arith.constant 288 : index
    %swap3A_190 = tpu.vector_load %arg6[%swap3A_189] {strides = array<i32>} : memref<512xf32, #tpu.memory_space<vmem>>, vector<16xf32>,
    tpu.vector_store %arg6[%swap3A_189], %neg3A_188 {strides = array<i32>} : memref<512xf32, #tpu.memory_space<vmem>>, vector<16xf32>,
    %get3A_191 = arith.constant 304 : index
    %get3A_192 = tpu.vector_load %arg4[%get3A_191] {strides = array<i32>} : memref<512xf32, #tpu.memory_space<vmem>>, vector<16xf32>,
    %get3A_193 = arith.constant 304 : index
    %get3A_194 = tpu.vector_load %arg5[%get3A_193] {strides = array<i32>} : memref<512xf32, #tpu.memory_space<vmem>>, vector<16xf32>,
    %add3A_195 = arith.addf %get3A_192, %get3A_194 : vector<16xf32>
    %neg3A_196 = arith.constant 0.000000e+00 : f32
    %neg3A_197 = vector.broadcast %neg3A_196 : f32 to vector<16xf32>
    %neg3A_198 = arith.subf %neg3A_197, %add3A_195 : vector<16xf32>
    %swap3A_199 = arith.constant 304 : index
    %swap3A_200 = tpu.vector_load %arg6[%swap3A_199] {strides = array<i32>} : memref<512xf32, #tpu.memory_space<vmem>>, vector<16xf32>,
    tpu.vector_store %arg6[%swap3A_199], %neg3A_198 {strides = array<i32>} : memref<512xf32, #tpu.memory_space<vmem>>, vector<16xf32>,
    %get3A_201 = arith.constant 320 : index
    %get3A_202 = tpu.vector_load %arg4[%get3A_201] {strides = array<i32>} : memref<512xf32, #tpu.memory_space<vmem>>, vector<16xf32>,
    %get3A_203 = arith.constant 320 : index
    %get3A_204 = tpu.vector_load %arg5[%get3A_203] {strides = array<i32>} : memref<512xf32, #tpu.memory_space<vmem>>, vector<16xf32>,
    %add3A_205 = arith.addf %get3A_202, %get3A_204 : vector<16xf32>
    %neg3A_206 = arith.constant 0.000000e+00 : f32
    %neg3A_207 = vector.broadcast %neg3A_206 : f32 to vector<16xf32>
    %neg3A_208 = arith.subf %neg3A_207, %add3A_205 : vector<16xf32>
    %swap3A_209 = arith.constant 320 : index
    %swap3A_210 = tpu.vector_load %arg6[%swap3A_209] {strides = array<i32>} : memref<512xf32, #tpu.memory_space<vmem>>, vector<16xf32>,
    tpu.vector_store %arg6[%swap3A_209], %neg3A_208 {strides = array<i32>} : memref<512xf32, #tpu.memory_space<vmem>>, vector<16xf32>,
    %get3A_211 = arith.constant 336 : index
    %get3A_212 = tpu.vector_load %arg4[%get3A_211] {strides = array<i32>} : memref<512xf32, #tpu.memory_space<vmem>>, vector<16xf32>,
    %get3A_213 = arith.constant 336 : index
    %get3A_214 = tpu.vector_load %arg5[%get3A_213] {strides = array<i32>} : memref<512xf32, #tpu.memory_space<vmem>>, vector<16xf32>,
    %add3A_215 = arith.addf %get3A_212, %get3A_214 : vector<16xf32>
    %neg3A_216 = arith.constant 0.000000e+00 : f32
    %neg3A_217 = vector.broadcast %neg3A_216 : f32 to vector<16xf32>
    %neg3A_218 = arith.subf %neg3A_217, %add3A_215 : vector<16xf32>
    %swap3A_219 = arith.constant 336 : index
    %swap3A_220 = tpu.vector_load %arg6[%swap3A_219] {strides = array<i32>} : memref<512xf32, #tpu.memory_space<vmem>>, vector<16xf32>,
    tpu.vector_store %arg6[%swap3A_219], %neg3A_218 {strides = array<i32>} : memref<512xf32, #tpu.memory_space<vmem>>, vector<16xf32>,
    %get3A_221 = arith.constant 352 : index
    %get3A_222 = tpu.vector_load %arg4[%get3A_221] {strides = array<i32>} : memref<512xf32, #tpu.memory_space<vmem>>, vector<16xf32>,
    %get3A_223 = arith.constant 352 : index
    %get3A_224 = tpu.vector_load %arg5[%get3A_223] {strides = array<i32>} : memref<512xf32, #tpu.memory_space<vmem>>, vector<16xf32>,
    %add3A_225 = arith.addf %get3A_222, %get3A_224 : vector<16xf32>
    %neg3A_226 = arith.constant 0.000000e+00 : f32
    %neg3A_227 = vector.broadcast %neg3A_226 : f32 to vector<16xf32>
    %neg3A_228 = arith.subf %neg3A_227, %add3A_225 : vector<16xf32>
    %swap3A_229 = arith.constant 352 : index
    %swap3A_230 = tpu.vector_load %arg6[%swap3A_229] {strides = array<i32>} : memref<512xf32, #tpu.memory_space<vmem>>, vector<16xf32>,
    tpu.vector_store %arg6[%swap3A_229], %neg3A_228 {strides = array<i32>} : memref<512xf32, #tpu.memory_space<vmem>>, vector<16xf32>,
    %get3A_231 = arith.constant 368 : index
    %get3A_232 = tpu.vector_load %arg4[%get3A_231] {strides = array<i32>} : memref<512xf32, #tpu.memory_space<vmem>>, vector<16xf32>,
    %get3A_233 = arith.constant 368 : index
    %get3A_234 = tpu.vector_load %arg5[%get3A_233] {strides = array<i32>} : memref<512xf32, #tpu.memory_space<vmem>>, vector<16xf32>,
    %add3A_235 = arith.addf %get3A_232, %get3A_234 : vector<16xf32>
    %neg3A_236 = arith.constant 0.000000e+00 : f32
    %neg3A_237 = vector.broadcast %neg3A_236 : f32 to vector<16xf32>
    %neg3A_238 = arith.subf %neg3A_237, %add3A_235 : vector<16xf32>
    %swap3A_239 = arith.constant 368 : index
    %swap3A_240 = tpu.vector_load %arg6[%swap3A_239] {strides = array<i32>} : memref<512xf32, #tpu.memory_space<vmem>>, vector<16xf32>,
    tpu.vector_store %arg6[%swap3A_239], %neg3A_238 {strides = array<i32>} : memref<512xf32, #tpu.memory_space<vmem>>, vector<16xf32>,
    %get3A_241 = arith.constant 384 : index
    %get3A_242 = tpu.vector_load %arg4[%get3A_241] {strides = array<i32>} : memref<512xf32, #tpu.memory_space<vmem>>, vector<16xf32>,
    %get3A_243 = arith.constant 384 : index
    %get3A_244 = tpu.vector_load %arg5[%get3A_243] {strides = array<i32>} : memref<512xf32, #tpu.memory_space<vmem>>, vector<16xf32>,
    %add3A_245 = arith.addf %get3A_242, %get3A_244 : vector<16xf32>
    %neg3A_246 = arith.constant 0.000000e+00 : f32
    %neg3A_247 = vector.broadcast %neg3A_246 : f32 to vector<16xf32>
    %neg3A_248 = arith.subf %neg3A_247, %add3A_245 : vector<16xf32>
    %swap3A_249 = arith.constant 384 : index
    %swap3A_250 = tpu.vector_load %arg6[%swap3A_249] {strides = array<i32>} : memref<512xf32, #tpu.memory_space<vmem>>, vector<16xf32>,
    tpu.vector_store %arg6[%swap3A_249], %neg3A_248 {strides = array<i32>} : memref<512xf32, #tpu.memory_space<vmem>>, vector<16xf32>,
    %get3A_251 = arith.constant 400 : index
    %get3A_252 = tpu.vector_load %arg4[%get3A_251] {strides = array<i32>} : memref<512xf32, #tpu.memory_space<vmem>>, vector<16xf32>,
    %get3A_253 = arith.constant 400 : index
    %get3A_254 = tpu.vector_load %arg5[%get3A_253] {strides = array<i32>} : memref<512xf32, #tpu.memory_space<vmem>>, vector<16xf32>,
    %add3A_255 = arith.addf %get3A_252, %get3A_254 : vector<16xf32>
    %neg3A_256 = arith.constant 0.000000e+00 : f32
    %neg3A_257 = vector.broadcast %neg3A_256 : f32 to vector<16xf32>
    %neg3A_258 = arith.subf %neg3A_257, %add3A_255 : vector<16xf32>
    %swap3A_259 = arith.constant 400 : index
    %swap3A_260 = tpu.vector_load %arg6[%swap3A_259] {strides = array<i32>} : memref<512xf32, #tpu.memory_space<vmem>>, vector<16xf32>,
    tpu.vector_store %arg6[%swap3A_259], %neg3A_258 {strides = array<i32>} : memref<512xf32, #tpu.memory_space<vmem>>, vector<16xf32>,
    %get3A_261 = arith.constant 416 : index
    %get3A_262 = tpu.vector_load %arg4[%get3A_261] {strides = array<i32>} : memref<512xf32, #tpu.memory_space<vmem>>, vector<16xf32>,
    %get3A_263 = arith.constant 416 : index
    %get3A_264 = tpu.vector_load %arg5[%get3A_263] {strides = array<i32>} : memref<512xf32, #tpu.memory_space<vmem>>, vector<16xf32>,
    %add3A_265 = arith.addf %get3A_262, %get3A_264 : vector<16xf32>
    %neg3A_266 = arith.constant 0.000000e+00 : f32
    %neg3A_267 = vector.broadcast %neg3A_266 : f32 to vector<16xf32>
    %neg3A_268 = arith.subf %neg3A_267, %add3A_265 : vector<16xf32>
    %swap3A_269 = arith.constant 416 : index
    %swap3A_270 = tpu.vector_load %arg6[%swap3A_269] {strides = array<i32>} : memref<512xf32, #tpu.memory_space<vmem>>, vector<16xf32>,
    tpu.vector_store %arg6[%swap3A_269], %neg3A_268 {strides = array<i32>} : memref<512xf32, #tpu.memory_space<vmem>>, vector<16xf32>,
    %get3A_271 = arith.constant 432 : index
    %get3A_272 = tpu.vector_load %arg4[%get3A_271] {strides = array<i32>} : memref<512xf32, #tpu.memory_space<vmem>>, vector<16xf32>,
    %get3A_273 = arith.constant 432 : index
    %get3A_274 = tpu.vector_load %arg5[%get3A_273] {strides = array<i32>} : memref<512xf32, #tpu.memory_space<vmem>>, vector<16xf32>,
    %add3A_275 = arith.addf %get3A_272, %get3A_274 : vector<16xf32>
    %neg3A_276 = arith.constant 0.000000e+00 : f32
    %neg3A_277 = vector.broadcast %neg3A_276 : f32 to vector<16xf32>
    %neg3A_278 = arith.subf %neg3A_277, %add3A_275 : vector<16xf32>
    %swap3A_279 = arith.constant 432 : index
    %swap3A_280 = tpu.vector_load %arg6[%swap3A_279] {strides = array<i32>} : memref<512xf32, #tpu.memory_space<vmem>>, vector<16xf32>,
    tpu.vector_store %arg6[%swap3A_279], %neg3A_278 {strides = array<i32>} : memref<512xf32, #tpu.memory_space<vmem>>, vector<16xf32>,
    %get3A_281 = arith.constant 448 : index
    %get3A_282 = tpu.vector_load %arg4[%get3A_281] {strides = array<i32>} : memref<512xf32, #tpu.memory_space<vmem>>, vector<16xf32>,
    %get3A_283 = arith.constant 448 : index
    %get3A_284 = tpu.vector_load %arg5[%get3A_283] {strides = array<i32>} : memref<512xf32, #tpu.memory_space<vmem>>, vector<16xf32>,
    %add3A_285 = arith.addf %get3A_282, %get3A_284 : vector<16xf32>
    %neg3A_286 = arith.constant 0.000000e+00 : f32
    %neg3A_287 = vector.broadcast %neg3A_286 : f32 to vector<16xf32>
    %neg3A_288 = arith.subf %neg3A_287, %add3A_285 : vector<16xf32>
    %swap3A_289 = arith.constant 448 : index
    %swap3A_290 = tpu.vector_load %arg6[%swap3A_289] {strides = array<i32>} : memref<512xf32, #tpu.memory_space<vmem>>, vector<16xf32>,
    tpu.vector_store %arg6[%swap3A_289], %neg3A_288 {strides = array<i32>} : memref<512xf32, #tpu.memory_space<vmem>>, vector<16xf32>,
    %get3A_291 = arith.constant 464 : index
    %get3A_292 = tpu.vector_load %arg4[%get3A_291] {strides = array<i32>} : memref<512xf32, #tpu.memory_space<vmem>>, vector<16xf32>,
    %get3A_293 = arith.constant 464 : index
    %get3A_294 = tpu.vector_load %arg5[%get3A_293] {strides = array<i32>} : memref<512xf32, #tpu.memory_space<vmem>>, vector<16xf32>,
    %add3A_295 = arith.addf %get3A_292, %get3A_294 : vector<16xf32>
    %neg3A_296 = arith.constant 0.000000e+00 : f32
    %neg3A_297 = vector.broadcast %neg3A_296 : f32 to vector<16xf32>
    %neg3A_298 = arith.subf %neg3A_297, %add3A_295 : vector<16xf32>
    %swap3A_299 = arith.constant 464 : index
    %swap3A_300 = tpu.vector_load %arg6[%swap3A_299] {strides = array<i32>} : memref<512xf32, #tpu.memory_space<vmem>>, vector<16xf32>,
    tpu.vector_store %arg6[%swap3A_299], %neg3A_298 {strides = array<i32>} : memref<512xf32, #tpu.memory_space<vmem>>, vector<16xf32>,
    %get3A_301 = arith.constant 480 : index
    %get3A_302 = tpu.vector_load %arg4[%get3A_301] {strides = array<i32>} : memref<512xf32, #tpu.memory_space<vmem>>, vector<16xf32>,
    %get3A_303 = arith.constant 480 : index
    %get3A_304 = tpu.vector_load %arg5[%get3A_303] {strides = array<i32>} : memref<512xf32, #tpu.memory_space<vmem>>, vector<16xf32>,
    %add3A_305 = arith.addf %get3A_302, %get3A_304 : vector<16xf32>
    %neg3A_306 = arith.constant 0.000000e+00 : f32
    %neg3A_307 = vector.broadcast %neg3A_306 : f32 to vector<16xf32>
    %neg3A_308 = arith.subf %neg3A_307, %add3A_305 : vector<16xf32>
    %swap3A_309 = arith.constant 480 : index
    %swap3A_310 = tpu.vector_load %arg6[%swap3A_309] {strides = array<i32>} : memref<512xf32, #tpu.memory_space<vmem>>, vector<16xf32>,
    tpu.vector_store %arg6[%swap3A_309], %neg3A_308 {strides = array<i32>} : memref<512xf32, #tpu.memory_space<vmem>>, vector<16xf32>,
    %get3A_311 = arith.constant 496 : index
    %get3A_312 = tpu.vector_load %arg4[%get3A_311] {strides = array<i32>} : memref<512xf32, #tpu.memory_space<vmem>>, vector<16xf32>,
    %get3A_313 = arith.constant 496 : index
    %get3A_314 = tpu.vector_load %arg5[%get3A_313] {strides = array<i32>} : memref<512xf32, #tpu.memory_space<vmem>>, vector<16xf32>,
    %add3A_315 = arith.addf %get3A_312, %get3A_314 : vector<16xf32>
    %neg3A_316 = arith.constant 0.000000e+00 : f32
    %neg3A_317 = vector.broadcast %neg3A_316 : f32 to vector<16xf32>
    %neg3A_318 = arith.subf %neg3A_317, %add3A_315 : vector<16xf32>
    %swap3A_319 = arith.constant 496 : index
    %swap3A_320 = tpu.vector_load %arg6[%swap3A_319] {strides = array<i32>} : memref<512xf32, #tpu.memory_space<vmem>>, vector<16xf32>,
    tpu.vector_store %arg6[%swap3A_319], %neg3A_318 {strides = array<i32>} : memref<512xf32, #tpu.memory_space<vmem>>, vector<16xf32>,
    "tpu.region"() ({
      %run_scoped3A_321 = tpu.sem_alloc : memref<!tpu.dma_semaphore, #tpu.memory_space<semaphore_mem>>
      %dma_start3A = tpu.memref_slice %arg3[%mul3A_2] : memref<16384xf32, #tpu.memory_space<hbm>> -> memref<512xf32, #tpu.memory_space<hbm>>
      %dma_start3A_322 = tpu.memref_slice %arg3[%mul3A_2] : memref<16384xf32, #tpu.memory_space<hbm>> -> memref<512xf32, #tpu.memory_space<hbm>>
      tpu.enqueue_dma source(%arg6 : memref<512xf32, #tpu.memory_space<vmem>>) target(%dma_start3A_322 : memref<512xf32, #tpu.memory_space<hbm>>) target_semaphore(%run_scoped3A_321 : memref<!tpu.dma_semaphore, #tpu.memory_space<semaphore_mem>>)
      %dma_wait3A = tpu.memref_slice %arg3[%mul3A_2] : memref<16384xf32, #tpu.memory_space<hbm>> -> memref<512xf32, #tpu.memory_space<hbm>>
      %dma_wait3A_323 = tpu.memref_slice %arg3[%mul3A_2] : memref<16384xf32, #tpu.memory_space<hbm>> -> memref<512xf32, #tpu.memory_space<hbm>>
      tpu.wait_dma2 semaphore(%run_scoped3A_321 : memref<!tpu.dma_semaphore, #tpu.memory_space<semaphore_mem>>) src(%arg6 : memref<512xf32, #tpu.memory_space<vmem>>) dst(%dma_wait3A_323 : memref<512xf32, #tpu.memory_space<hbm>>)
      tpu.yield
    }) : () -> ()
    return
  }
}

#map = affine_map<(d0, d1) -> (0, 0)>
#map1 = affine_map<(d0, d1) -> (0)>
module attributes {stable_mosaic.version = 14 : i64} {
  func.func @_partial(%arg0: i32, %arg1: i32, %arg2: memref<32x1000000xf32, #tpu.memory_space<hbm>>, %arg3: memref<250x128xf32, #tpu.memory_space<hbm>>, %arg4: memref<16384xi32, #tpu.memory_space<hbm>>, %arg5: memref<16384xi32, #tpu.memory_space<hbm>>, %arg6: memref<16384xi32, #tpu.memory_space<hbm>>, %arg7: memref<2x16384xf32, #tpu.memory_space<hbm>>, %arg8: memref<1000000xf32, #tpu.memory_space<vmem_shared>>, %arg9: memref<2048xi32, #tpu.memory_space<vmem>>, %arg10: memref<1024xi32, #tpu.memory_space<vmem>>, %arg11: memref<2048xf32, #tpu.memory_space<vmem>>, %arg12: memref<1024xf32, #tpu.memory_space<vmem>>, %arg13: memref<250x128xf32, #tpu.memory_space<vmem>>, %arg14: memref<!tpu.dma_semaphore, #tpu.memory_space<semaphore_mem>>, %arg15: memref<!tpu.dma_semaphore, #tpu.memory_space<semaphore_mem>>, %arg16: memref<!tpu.dma_semaphore, #tpu.memory_space<semaphore_mem>>) attributes {dimension_semantics = [#tpu.dimension_semantics<core_parallel>, #tpu.dimension_semantics<subcore_parallel>], iteration_bounds = array<i64: 2, 16>, scalar_prefetch = 0 : i64, scratch_operands = 9 : i64, tpu.core_type = #tpu.core_type<sc_vector_subcore>, window_params = [{transform_indices = #map}, {transform_indices = #map}, {transform_indices = #map1}, {transform_indices = #map1}, {transform_indices = #map1}, {transform_indices = #map}]} {
    %mul3A = arith.constant 1024 : i32
    %mul3A_0 = arith.muli %arg1, %mul3A : i32
    tpu.enqueue_dma source(%arg3 : memref<250x128xf32, #tpu.memory_space<hbm>>) target(%arg13 : memref<250x128xf32, #tpu.memory_space<vmem>>) target_semaphore(%arg14 : memref<!tpu.dma_semaphore, #tpu.memory_space<semaphore_mem>>)
    "tpu.region"() ({
      %run_scoped3A = tpu.sem_alloc : memref<!tpu.dma_semaphore, #tpu.memory_space<semaphore_mem>>
      %dma_start3A = arith.constant 0 : i32
      %dma_start3A_266 = tpu.memref_slice %arg9[%dma_start3A] : memref<2048xi32, #tpu.memory_space<vmem>> -> memref<1024xi32, #tpu.memory_space<vmem>>
      %dma_start3A_267 = tpu.memref_slice %arg4[%mul3A_0] : memref<16384xi32, #tpu.memory_space<hbm>> -> memref<1024xi32, #tpu.memory_space<hbm>>
      %dma_start3A_268 = arith.constant 0 : i32
      %dma_start3A_269 = tpu.memref_slice %arg9[%dma_start3A_268] : memref<2048xi32, #tpu.memory_space<vmem>> -> memref<1024xi32, #tpu.memory_space<vmem>>
      %dma_start3A_270 = tpu.memref_slice %arg4[%mul3A_0] : memref<16384xi32, #tpu.memory_space<hbm>> -> memref<1024xi32, #tpu.memory_space<hbm>>
      tpu.enqueue_dma source(%dma_start3A_270 : memref<1024xi32, #tpu.memory_space<hbm>>) target(%dma_start3A_269 : memref<1024xi32, #tpu.memory_space<vmem>>) target_semaphore(%run_scoped3A : memref<!tpu.dma_semaphore, #tpu.memory_space<semaphore_mem>>)
      %dma_wait3A = arith.constant 0 : i32
      %dma_wait3A_271 = tpu.memref_slice %arg9[%dma_wait3A] : memref<2048xi32, #tpu.memory_space<vmem>> -> memref<1024xi32, #tpu.memory_space<vmem>>
      %dma_wait3A_272 = tpu.memref_slice %arg4[%mul3A_0] : memref<16384xi32, #tpu.memory_space<hbm>> -> memref<1024xi32, #tpu.memory_space<hbm>>
      %dma_wait3A_273 = arith.constant 0 : i32
      %dma_wait3A_274 = tpu.memref_slice %arg9[%dma_wait3A_273] : memref<2048xi32, #tpu.memory_space<vmem>> -> memref<1024xi32, #tpu.memory_space<vmem>>
      %dma_wait3A_275 = tpu.memref_slice %arg4[%mul3A_0] : memref<16384xi32, #tpu.memory_space<hbm>> -> memref<1024xi32, #tpu.memory_space<hbm>>
      tpu.wait_dma2 semaphore(%run_scoped3A : memref<!tpu.dma_semaphore, #tpu.memory_space<semaphore_mem>>) src(%dma_wait3A_275 : memref<1024xi32, #tpu.memory_space<hbm>>) dst(%dma_wait3A_274 : memref<1024xi32, #tpu.memory_space<vmem>>)
      tpu.yield
    }) : () -> ()
    "tpu.region"() ({
      %run_scoped3A = tpu.sem_alloc : memref<!tpu.dma_semaphore, #tpu.memory_space<semaphore_mem>>
      %dma_start3A = arith.constant 1024 : i32
      %dma_start3A_266 = tpu.memref_slice %arg9[%dma_start3A] : memref<2048xi32, #tpu.memory_space<vmem>> -> memref<1024xi32, #tpu.memory_space<vmem>>
      %dma_start3A_267 = tpu.memref_slice %arg6[%mul3A_0] : memref<16384xi32, #tpu.memory_space<hbm>> -> memref<1024xi32, #tpu.memory_space<hbm>>
      %dma_start3A_268 = arith.constant 1024 : i32
      %dma_start3A_269 = tpu.memref_slice %arg9[%dma_start3A_268] : memref<2048xi32, #tpu.memory_space<vmem>> -> memref<1024xi32, #tpu.memory_space<vmem>>
      %dma_start3A_270 = tpu.memref_slice %arg6[%mul3A_0] : memref<16384xi32, #tpu.memory_space<hbm>> -> memref<1024xi32, #tpu.memory_space<hbm>>
      tpu.enqueue_dma source(%dma_start3A_270 : memref<1024xi32, #tpu.memory_space<hbm>>) target(%dma_start3A_269 : memref<1024xi32, #tpu.memory_space<vmem>>) target_semaphore(%run_scoped3A : memref<!tpu.dma_semaphore, #tpu.memory_space<semaphore_mem>>)
      %dma_wait3A = arith.constant 1024 : i32
      %dma_wait3A_271 = tpu.memref_slice %arg9[%dma_wait3A] : memref<2048xi32, #tpu.memory_space<vmem>> -> memref<1024xi32, #tpu.memory_space<vmem>>
      %dma_wait3A_272 = tpu.memref_slice %arg6[%mul3A_0] : memref<16384xi32, #tpu.memory_space<hbm>> -> memref<1024xi32, #tpu.memory_space<hbm>>
      %dma_wait3A_273 = arith.constant 1024 : i32
      %dma_wait3A_274 = tpu.memref_slice %arg9[%dma_wait3A_273] : memref<2048xi32, #tpu.memory_space<vmem>> -> memref<1024xi32, #tpu.memory_space<vmem>>
      %dma_wait3A_275 = tpu.memref_slice %arg6[%mul3A_0] : memref<16384xi32, #tpu.memory_space<hbm>> -> memref<1024xi32, #tpu.memory_space<hbm>>
      tpu.wait_dma2 semaphore(%run_scoped3A : memref<!tpu.dma_semaphore, #tpu.memory_space<semaphore_mem>>) src(%dma_wait3A_275 : memref<1024xi32, #tpu.memory_space<hbm>>) dst(%dma_wait3A_274 : memref<1024xi32, #tpu.memory_space<vmem>>)
      tpu.yield
    }) : () -> ()
    "tpu.region"() ({
      %run_scoped3A = tpu.sem_alloc : memref<!tpu.dma_semaphore, #tpu.memory_space<semaphore_mem>>
      %dma_start3A = tpu.memref_slice %arg5[%mul3A_0] : memref<16384xi32, #tpu.memory_space<hbm>> -> memref<1024xi32, #tpu.memory_space<hbm>>
      %dma_start3A_266 = tpu.memref_slice %arg5[%mul3A_0] : memref<16384xi32, #tpu.memory_space<hbm>> -> memref<1024xi32, #tpu.memory_space<hbm>>
      tpu.enqueue_dma source(%dma_start3A_266 : memref<1024xi32, #tpu.memory_space<hbm>>) target(%arg10 : memref<1024xi32, #tpu.memory_space<vmem>>) target_semaphore(%run_scoped3A : memref<!tpu.dma_semaphore, #tpu.memory_space<semaphore_mem>>)
      %dma_wait3A = tpu.memref_slice %arg5[%mul3A_0] : memref<16384xi32, #tpu.memory_space<hbm>> -> memref<1024xi32, #tpu.memory_space<hbm>>
      %dma_wait3A_267 = tpu.memref_slice %arg5[%mul3A_0] : memref<16384xi32, #tpu.memory_space<hbm>> -> memref<1024xi32, #tpu.memory_space<hbm>>
      tpu.wait_dma2 semaphore(%run_scoped3A : memref<!tpu.dma_semaphore, #tpu.memory_space<semaphore_mem>>) src(%dma_wait3A_267 : memref<1024xi32, #tpu.memory_space<hbm>>) dst(%arg10 : memref<1024xi32, #tpu.memory_space<vmem>>)
      tpu.yield
    }) : () -> ()
    %broadcast_in_dim3A = arith.constant 0.000000e+00 : f32
    %broadcast_in_dim3A_1 = vector.broadcast %broadcast_in_dim3A : f32 to vector<16xf32>
    %swap3A = arith.constant 0 : index
    %swap3A_2 = tpu.vector_load %arg12[%swap3A] {strides = array<i32>} : memref<1024xf32, #tpu.memory_space<vmem>>, vector<16xf32>,
    tpu.vector_store %arg12[%swap3A], %broadcast_in_dim3A_1 {strides = array<i32>} : memref<1024xf32, #tpu.memory_space<vmem>>, vector<16xf32>,
    %broadcast_in_dim3A_3 = arith.constant 0.000000e+00 : f32
    %broadcast_in_dim3A_4 = vector.broadcast %broadcast_in_dim3A_3 : f32 to vector<16xf32>
    %swap3A_5 = arith.constant 16 : index
    %swap3A_6 = tpu.vector_load %arg12[%swap3A_5] {strides = array<i32>} : memref<1024xf32, #tpu.memory_space<vmem>>, vector<16xf32>,
    tpu.vector_store %arg12[%swap3A_5], %broadcast_in_dim3A_4 {strides = array<i32>} : memref<1024xf32, #tpu.memory_space<vmem>>, vector<16xf32>,
    %broadcast_in_dim3A_7 = arith.constant 0.000000e+00 : f32
    %broadcast_in_dim3A_8 = vector.broadcast %broadcast_in_dim3A_7 : f32 to vector<16xf32>
    %swap3A_9 = arith.constant 32 : index
    %swap3A_10 = tpu.vector_load %arg12[%swap3A_9] {strides = array<i32>} : memref<1024xf32, #tpu.memory_space<vmem>>, vector<16xf32>,
    tpu.vector_store %arg12[%swap3A_9], %broadcast_in_dim3A_8 {strides = array<i32>} : memref<1024xf32, #tpu.memory_space<vmem>>, vector<16xf32>,
    %broadcast_in_dim3A_11 = arith.constant 0.000000e+00 : f32
    %broadcast_in_dim3A_12 = vector.broadcast %broadcast_in_dim3A_11 : f32 to vector<16xf32>
    %swap3A_13 = arith.constant 48 : index
    %swap3A_14 = tpu.vector_load %arg12[%swap3A_13] {strides = array<i32>} : memref<1024xf32, #tpu.memory_space<vmem>>, vector<16xf32>,
    tpu.vector_store %arg12[%swap3A_13], %broadcast_in_dim3A_12 {strides = array<i32>} : memref<1024xf32, #tpu.memory_space<vmem>>, vector<16xf32>,
    %broadcast_in_dim3A_15 = arith.constant 0.000000e+00 : f32
    %broadcast_in_dim3A_16 = vector.broadcast %broadcast_in_dim3A_15 : f32 to vector<16xf32>
    %swap3A_17 = arith.constant 64 : index
    %swap3A_18 = tpu.vector_load %arg12[%swap3A_17] {strides = array<i32>} : memref<1024xf32, #tpu.memory_space<vmem>>, vector<16xf32>,
    tpu.vector_store %arg12[%swap3A_17], %broadcast_in_dim3A_16 {strides = array<i32>} : memref<1024xf32, #tpu.memory_space<vmem>>, vector<16xf32>,
    %broadcast_in_dim3A_19 = arith.constant 0.000000e+00 : f32
    %broadcast_in_dim3A_20 = vector.broadcast %broadcast_in_dim3A_19 : f32 to vector<16xf32>
    %swap3A_21 = arith.constant 80 : index
    %swap3A_22 = tpu.vector_load %arg12[%swap3A_21] {strides = array<i32>} : memref<1024xf32, #tpu.memory_space<vmem>>, vector<16xf32>,
    tpu.vector_store %arg12[%swap3A_21], %broadcast_in_dim3A_20 {strides = array<i32>} : memref<1024xf32, #tpu.memory_space<vmem>>, vector<16xf32>,
    %broadcast_in_dim3A_23 = arith.constant 0.000000e+00 : f32
    %broadcast_in_dim3A_24 = vector.broadcast %broadcast_in_dim3A_23 : f32 to vector<16xf32>
    %swap3A_25 = arith.constant 96 : index
    %swap3A_26 = tpu.vector_load %arg12[%swap3A_25] {strides = array<i32>} : memref<1024xf32, #tpu.memory_space<vmem>>, vector<16xf32>,
    tpu.vector_store %arg12[%swap3A_25], %broadcast_in_dim3A_24 {strides = array<i32>} : memref<1024xf32, #tpu.memory_space<vmem>>, vector<16xf32>,
    %broadcast_in_dim3A_27 = arith.constant 0.000000e+00 : f32
    %broadcast_in_dim3A_28 = vector.broadcast %broadcast_in_dim3A_27 : f32 to vector<16xf32>
    %swap3A_29 = arith.constant 112 : index
    %swap3A_30 = tpu.vector_load %arg12[%swap3A_29] {strides = array<i32>} : memref<1024xf32, #tpu.memory_space<vmem>>, vector<16xf32>,
    tpu.vector_store %arg12[%swap3A_29], %broadcast_in_dim3A_28 {strides = array<i32>} : memref<1024xf32, #tpu.memory_space<vmem>>, vector<16xf32>,
    %broadcast_in_dim3A_31 = arith.constant 0.000000e+00 : f32
    %broadcast_in_dim3A_32 = vector.broadcast %broadcast_in_dim3A_31 : f32 to vector<16xf32>
    %swap3A_33 = arith.constant 128 : index
    %swap3A_34 = tpu.vector_load %arg12[%swap3A_33] {strides = array<i32>} : memref<1024xf32, #tpu.memory_space<vmem>>, vector<16xf32>,
    tpu.vector_store %arg12[%swap3A_33], %broadcast_in_dim3A_32 {strides = array<i32>} : memref<1024xf32, #tpu.memory_space<vmem>>, vector<16xf32>,
    %broadcast_in_dim3A_35 = arith.constant 0.000000e+00 : f32
    %broadcast_in_dim3A_36 = vector.broadcast %broadcast_in_dim3A_35 : f32 to vector<16xf32>
    %swap3A_37 = arith.constant 144 : index
    %swap3A_38 = tpu.vector_load %arg12[%swap3A_37] {strides = array<i32>} : memref<1024xf32, #tpu.memory_space<vmem>>, vector<16xf32>,
    tpu.vector_store %arg12[%swap3A_37], %broadcast_in_dim3A_36 {strides = array<i32>} : memref<1024xf32, #tpu.memory_space<vmem>>, vector<16xf32>,
    %broadcast_in_dim3A_39 = arith.constant 0.000000e+00 : f32
    %broadcast_in_dim3A_40 = vector.broadcast %broadcast_in_dim3A_39 : f32 to vector<16xf32>
    %swap3A_41 = arith.constant 160 : index
    %swap3A_42 = tpu.vector_load %arg12[%swap3A_41] {strides = array<i32>} : memref<1024xf32, #tpu.memory_space<vmem>>, vector<16xf32>,
    tpu.vector_store %arg12[%swap3A_41], %broadcast_in_dim3A_40 {strides = array<i32>} : memref<1024xf32, #tpu.memory_space<vmem>>, vector<16xf32>,
    %broadcast_in_dim3A_43 = arith.constant 0.000000e+00 : f32
    %broadcast_in_dim3A_44 = vector.broadcast %broadcast_in_dim3A_43 : f32 to vector<16xf32>
    %swap3A_45 = arith.constant 176 : index
    %swap3A_46 = tpu.vector_load %arg12[%swap3A_45] {strides = array<i32>} : memref<1024xf32, #tpu.memory_space<vmem>>, vector<16xf32>,
    tpu.vector_store %arg12[%swap3A_45], %broadcast_in_dim3A_44 {strides = array<i32>} : memref<1024xf32, #tpu.memory_space<vmem>>, vector<16xf32>,
    %broadcast_in_dim3A_47 = arith.constant 0.000000e+00 : f32
    %broadcast_in_dim3A_48 = vector.broadcast %broadcast_in_dim3A_47 : f32 to vector<16xf32>
    %swap3A_49 = arith.constant 192 : index
    %swap3A_50 = tpu.vector_load %arg12[%swap3A_49] {strides = array<i32>} : memref<1024xf32, #tpu.memory_space<vmem>>, vector<16xf32>,
    tpu.vector_store %arg12[%swap3A_49], %broadcast_in_dim3A_48 {strides = array<i32>} : memref<1024xf32, #tpu.memory_space<vmem>>, vector<16xf32>,
    %broadcast_in_dim3A_51 = arith.constant 0.000000e+00 : f32
    %broadcast_in_dim3A_52 = vector.broadcast %broadcast_in_dim3A_51 : f32 to vector<16xf32>
    %swap3A_53 = arith.constant 208 : index
    %swap3A_54 = tpu.vector_load %arg12[%swap3A_53] {strides = array<i32>} : memref<1024xf32, #tpu.memory_space<vmem>>, vector<16xf32>,
    tpu.vector_store %arg12[%swap3A_53], %broadcast_in_dim3A_52 {strides = array<i32>} : memref<1024xf32, #tpu.memory_space<vmem>>, vector<16xf32>,
    %broadcast_in_dim3A_55 = arith.constant 0.000000e+00 : f32
    %broadcast_in_dim3A_56 = vector.broadcast %broadcast_in_dim3A_55 : f32 to vector<16xf32>
    %swap3A_57 = arith.constant 224 : index
    %swap3A_58 = tpu.vector_load %arg12[%swap3A_57] {strides = array<i32>} : memref<1024xf32, #tpu.memory_space<vmem>>, vector<16xf32>,
    tpu.vector_store %arg12[%swap3A_57], %broadcast_in_dim3A_56 {strides = array<i32>} : memref<1024xf32, #tpu.memory_space<vmem>>, vector<16xf32>,
    %broadcast_in_dim3A_59 = arith.constant 0.000000e+00 : f32
    %broadcast_in_dim3A_60 = vector.broadcast %broadcast_in_dim3A_59 : f32 to vector<16xf32>
    %swap3A_61 = arith.constant 240 : index
    %swap3A_62 = tpu.vector_load %arg12[%swap3A_61] {strides = array<i32>} : memref<1024xf32, #tpu.memory_space<vmem>>, vector<16xf32>,
    tpu.vector_store %arg12[%swap3A_61], %broadcast_in_dim3A_60 {strides = array<i32>} : memref<1024xf32, #tpu.memory_space<vmem>>, vector<16xf32>,
    %broadcast_in_dim3A_63 = arith.constant 0.000000e+00 : f32
    %broadcast_in_dim3A_64 = vector.broadcast %broadcast_in_dim3A_63 : f32 to vector<16xf32>
    %swap3A_65 = arith.constant 256 : index
    %swap3A_66 = tpu.vector_load %arg12[%swap3A_65] {strides = array<i32>} : memref<1024xf32, #tpu.memory_space<vmem>>, vector<16xf32>,
    tpu.vector_store %arg12[%swap3A_65], %broadcast_in_dim3A_64 {strides = array<i32>} : memref<1024xf32, #tpu.memory_space<vmem>>, vector<16xf32>,
    %broadcast_in_dim3A_67 = arith.constant 0.000000e+00 : f32
    %broadcast_in_dim3A_68 = vector.broadcast %broadcast_in_dim3A_67 : f32 to vector<16xf32>
    %swap3A_69 = arith.constant 272 : index
    %swap3A_70 = tpu.vector_load %arg12[%swap3A_69] {strides = array<i32>} : memref<1024xf32, #tpu.memory_space<vmem>>, vector<16xf32>,
    tpu.vector_store %arg12[%swap3A_69], %broadcast_in_dim3A_68 {strides = array<i32>} : memref<1024xf32, #tpu.memory_space<vmem>>, vector<16xf32>,
    %broadcast_in_dim3A_71 = arith.constant 0.000000e+00 : f32
    %broadcast_in_dim3A_72 = vector.broadcast %broadcast_in_dim3A_71 : f32 to vector<16xf32>
    %swap3A_73 = arith.constant 288 : index
    %swap3A_74 = tpu.vector_load %arg12[%swap3A_73] {strides = array<i32>} : memref<1024xf32, #tpu.memory_space<vmem>>, vector<16xf32>,
    tpu.vector_store %arg12[%swap3A_73], %broadcast_in_dim3A_72 {strides = array<i32>} : memref<1024xf32, #tpu.memory_space<vmem>>, vector<16xf32>,
    %broadcast_in_dim3A_75 = arith.constant 0.000000e+00 : f32
    %broadcast_in_dim3A_76 = vector.broadcast %broadcast_in_dim3A_75 : f32 to vector<16xf32>
    %swap3A_77 = arith.constant 304 : index
    %swap3A_78 = tpu.vector_load %arg12[%swap3A_77] {strides = array<i32>} : memref<1024xf32, #tpu.memory_space<vmem>>, vector<16xf32>,
    tpu.vector_store %arg12[%swap3A_77], %broadcast_in_dim3A_76 {strides = array<i32>} : memref<1024xf32, #tpu.memory_space<vmem>>, vector<16xf32>,
    %broadcast_in_dim3A_79 = arith.constant 0.000000e+00 : f32
    %broadcast_in_dim3A_80 = vector.broadcast %broadcast_in_dim3A_79 : f32 to vector<16xf32>
    %swap3A_81 = arith.constant 320 : index
    %swap3A_82 = tpu.vector_load %arg12[%swap3A_81] {strides = array<i32>} : memref<1024xf32, #tpu.memory_space<vmem>>, vector<16xf32>,
    tpu.vector_store %arg12[%swap3A_81], %broadcast_in_dim3A_80 {strides = array<i32>} : memref<1024xf32, #tpu.memory_space<vmem>>, vector<16xf32>,
    %broadcast_in_dim3A_83 = arith.constant 0.000000e+00 : f32
    %broadcast_in_dim3A_84 = vector.broadcast %broadcast_in_dim3A_83 : f32 to vector<16xf32>
    %swap3A_85 = arith.constant 336 : index
    %swap3A_86 = tpu.vector_load %arg12[%swap3A_85] {strides = array<i32>} : memref<1024xf32, #tpu.memory_space<vmem>>, vector<16xf32>,
    tpu.vector_store %arg12[%swap3A_85], %broadcast_in_dim3A_84 {strides = array<i32>} : memref<1024xf32, #tpu.memory_space<vmem>>, vector<16xf32>,
    %broadcast_in_dim3A_87 = arith.constant 0.000000e+00 : f32
    %broadcast_in_dim3A_88 = vector.broadcast %broadcast_in_dim3A_87 : f32 to vector<16xf32>
    %swap3A_89 = arith.constant 352 : index
    %swap3A_90 = tpu.vector_load %arg12[%swap3A_89] {strides = array<i32>} : memref<1024xf32, #tpu.memory_space<vmem>>, vector<16xf32>,
    tpu.vector_store %arg12[%swap3A_89], %broadcast_in_dim3A_88 {strides = array<i32>} : memref<1024xf32, #tpu.memory_space<vmem>>, vector<16xf32>,
    %broadcast_in_dim3A_91 = arith.constant 0.000000e+00 : f32
    %broadcast_in_dim3A_92 = vector.broadcast %broadcast_in_dim3A_91 : f32 to vector<16xf32>
    %swap3A_93 = arith.constant 368 : index
    %swap3A_94 = tpu.vector_load %arg12[%swap3A_93] {strides = array<i32>} : memref<1024xf32, #tpu.memory_space<vmem>>, vector<16xf32>,
    tpu.vector_store %arg12[%swap3A_93], %broadcast_in_dim3A_92 {strides = array<i32>} : memref<1024xf32, #tpu.memory_space<vmem>>, vector<16xf32>,
    %broadcast_in_dim3A_95 = arith.constant 0.000000e+00 : f32
    %broadcast_in_dim3A_96 = vector.broadcast %broadcast_in_dim3A_95 : f32 to vector<16xf32>
    %swap3A_97 = arith.constant 384 : index
    %swap3A_98 = tpu.vector_load %arg12[%swap3A_97] {strides = array<i32>} : memref<1024xf32, #tpu.memory_space<vmem>>, vector<16xf32>,
    tpu.vector_store %arg12[%swap3A_97], %broadcast_in_dim3A_96 {strides = array<i32>} : memref<1024xf32, #tpu.memory_space<vmem>>, vector<16xf32>,
    %broadcast_in_dim3A_99 = arith.constant 0.000000e+00 : f32
    %broadcast_in_dim3A_100 = vector.broadcast %broadcast_in_dim3A_99 : f32 to vector<16xf32>
    %swap3A_101 = arith.constant 400 : index
    %swap3A_102 = tpu.vector_load %arg12[%swap3A_101] {strides = array<i32>} : memref<1024xf32, #tpu.memory_space<vmem>>, vector<16xf32>,
    tpu.vector_store %arg12[%swap3A_101], %broadcast_in_dim3A_100 {strides = array<i32>} : memref<1024xf32, #tpu.memory_space<vmem>>, vector<16xf32>,
    %broadcast_in_dim3A_103 = arith.constant 0.000000e+00 : f32
    %broadcast_in_dim3A_104 = vector.broadcast %broadcast_in_dim3A_103 : f32 to vector<16xf32>
    %swap3A_105 = arith.constant 416 : index
    %swap3A_106 = tpu.vector_load %arg12[%swap3A_105] {strides = array<i32>} : memref<1024xf32, #tpu.memory_space<vmem>>, vector<16xf32>,
    tpu.vector_store %arg12[%swap3A_105], %broadcast_in_dim3A_104 {strides = array<i32>} : memref<1024xf32, #tpu.memory_space<vmem>>, vector<16xf32>,
    %broadcast_in_dim3A_107 = arith.constant 0.000000e+00 : f32
    %broadcast_in_dim3A_108 = vector.broadcast %broadcast_in_dim3A_107 : f32 to vector<16xf32>
    %swap3A_109 = arith.constant 432 : index
    %swap3A_110 = tpu.vector_load %arg12[%swap3A_109] {strides = array<i32>} : memref<1024xf32, #tpu.memory_space<vmem>>, vector<16xf32>,
    tpu.vector_store %arg12[%swap3A_109], %broadcast_in_dim3A_108 {strides = array<i32>} : memref<1024xf32, #tpu.memory_space<vmem>>, vector<16xf32>,
    %broadcast_in_dim3A_111 = arith.constant 0.000000e+00 : f32
    %broadcast_in_dim3A_112 = vector.broadcast %broadcast_in_dim3A_111 : f32 to vector<16xf32>
    %swap3A_113 = arith.constant 448 : index
    %swap3A_114 = tpu.vector_load %arg12[%swap3A_113] {strides = array<i32>} : memref<1024xf32, #tpu.memory_space<vmem>>, vector<16xf32>,
    tpu.vector_store %arg12[%swap3A_113], %broadcast_in_dim3A_112 {strides = array<i32>} : memref<1024xf32, #tpu.memory_space<vmem>>, vector<16xf32>,
    %broadcast_in_dim3A_115 = arith.constant 0.000000e+00 : f32
    %broadcast_in_dim3A_116 = vector.broadcast %broadcast_in_dim3A_115 : f32 to vector<16xf32>
    %swap3A_117 = arith.constant 464 : index
    %swap3A_118 = tpu.vector_load %arg12[%swap3A_117] {strides = array<i32>} : memref<1024xf32, #tpu.memory_space<vmem>>, vector<16xf32>,
    tpu.vector_store %arg12[%swap3A_117], %broadcast_in_dim3A_116 {strides = array<i32>} : memref<1024xf32, #tpu.memory_space<vmem>>, vector<16xf32>,
    %broadcast_in_dim3A_119 = arith.constant 0.000000e+00 : f32
    %broadcast_in_dim3A_120 = vector.broadcast %broadcast_in_dim3A_119 : f32 to vector<16xf32>
    %swap3A_121 = arith.constant 480 : index
    %swap3A_122 = tpu.vector_load %arg12[%swap3A_121] {strides = array<i32>} : memref<1024xf32, #tpu.memory_space<vmem>>, vector<16xf32>,
    tpu.vector_store %arg12[%swap3A_121], %broadcast_in_dim3A_120 {strides = array<i32>} : memref<1024xf32, #tpu.memory_space<vmem>>, vector<16xf32>,
    %broadcast_in_dim3A_123 = arith.constant 0.000000e+00 : f32
    %broadcast_in_dim3A_124 = vector.broadcast %broadcast_in_dim3A_123 : f32 to vector<16xf32>
    %swap3A_125 = arith.constant 496 : index
    %swap3A_126 = tpu.vector_load %arg12[%swap3A_125] {strides = array<i32>} : memref<1024xf32, #tpu.memory_space<vmem>>, vector<16xf32>,
    tpu.vector_store %arg12[%swap3A_125], %broadcast_in_dim3A_124 {strides = array<i32>} : memref<1024xf32, #tpu.memory_space<vmem>>, vector<16xf32>,
    %broadcast_in_dim3A_127 = arith.constant 0.000000e+00 : f32
    %broadcast_in_dim3A_128 = vector.broadcast %broadcast_in_dim3A_127 : f32 to vector<16xf32>
    %swap3A_129 = arith.constant 512 : index
    %swap3A_130 = tpu.vector_load %arg12[%swap3A_129] {strides = array<i32>} : memref<1024xf32, #tpu.memory_space<vmem>>, vector<16xf32>,
    tpu.vector_store %arg12[%swap3A_129], %broadcast_in_dim3A_128 {strides = array<i32>} : memref<1024xf32, #tpu.memory_space<vmem>>, vector<16xf32>,
    %broadcast_in_dim3A_131 = arith.constant 0.000000e+00 : f32
    %broadcast_in_dim3A_132 = vector.broadcast %broadcast_in_dim3A_131 : f32 to vector<16xf32>
    %swap3A_133 = arith.constant 528 : index
    %swap3A_134 = tpu.vector_load %arg12[%swap3A_133] {strides = array<i32>} : memref<1024xf32, #tpu.memory_space<vmem>>, vector<16xf32>,
    tpu.vector_store %arg12[%swap3A_133], %broadcast_in_dim3A_132 {strides = array<i32>} : memref<1024xf32, #tpu.memory_space<vmem>>, vector<16xf32>,
    %broadcast_in_dim3A_135 = arith.constant 0.000000e+00 : f32
    %broadcast_in_dim3A_136 = vector.broadcast %broadcast_in_dim3A_135 : f32 to vector<16xf32>
    %swap3A_137 = arith.constant 544 : index
    %swap3A_138 = tpu.vector_load %arg12[%swap3A_137] {strides = array<i32>} : memref<1024xf32, #tpu.memory_space<vmem>>, vector<16xf32>,
    tpu.vector_store %arg12[%swap3A_137], %broadcast_in_dim3A_136 {strides = array<i32>} : memref<1024xf32, #tpu.memory_space<vmem>>, vector<16xf32>,
    %broadcast_in_dim3A_139 = arith.constant 0.000000e+00 : f32
    %broadcast_in_dim3A_140 = vector.broadcast %broadcast_in_dim3A_139 : f32 to vector<16xf32>
    %swap3A_141 = arith.constant 560 : index
    %swap3A_142 = tpu.vector_load %arg12[%swap3A_141] {strides = array<i32>} : memref<1024xf32, #tpu.memory_space<vmem>>, vector<16xf32>,
    tpu.vector_store %arg12[%swap3A_141], %broadcast_in_dim3A_140 {strides = array<i32>} : memref<1024xf32, #tpu.memory_space<vmem>>, vector<16xf32>,
    %broadcast_in_dim3A_143 = arith.constant 0.000000e+00 : f32
    %broadcast_in_dim3A_144 = vector.broadcast %broadcast_in_dim3A_143 : f32 to vector<16xf32>
    %swap3A_145 = arith.constant 576 : index
    %swap3A_146 = tpu.vector_load %arg12[%swap3A_145] {strides = array<i32>} : memref<1024xf32, #tpu.memory_space<vmem>>, vector<16xf32>,
    tpu.vector_store %arg12[%swap3A_145], %broadcast_in_dim3A_144 {strides = array<i32>} : memref<1024xf32, #tpu.memory_space<vmem>>, vector<16xf32>,
    %broadcast_in_dim3A_147 = arith.constant 0.000000e+00 : f32
    %broadcast_in_dim3A_148 = vector.broadcast %broadcast_in_dim3A_147 : f32 to vector<16xf32>
    %swap3A_149 = arith.constant 592 : index
    %swap3A_150 = tpu.vector_load %arg12[%swap3A_149] {strides = array<i32>} : memref<1024xf32, #tpu.memory_space<vmem>>, vector<16xf32>,
    tpu.vector_store %arg12[%swap3A_149], %broadcast_in_dim3A_148 {strides = array<i32>} : memref<1024xf32, #tpu.memory_space<vmem>>, vector<16xf32>,
    %broadcast_in_dim3A_151 = arith.constant 0.000000e+00 : f32
    %broadcast_in_dim3A_152 = vector.broadcast %broadcast_in_dim3A_151 : f32 to vector<16xf32>
    %swap3A_153 = arith.constant 608 : index
    %swap3A_154 = tpu.vector_load %arg12[%swap3A_153] {strides = array<i32>} : memref<1024xf32, #tpu.memory_space<vmem>>, vector<16xf32>,
    tpu.vector_store %arg12[%swap3A_153], %broadcast_in_dim3A_152 {strides = array<i32>} : memref<1024xf32, #tpu.memory_space<vmem>>, vector<16xf32>,
    %broadcast_in_dim3A_155 = arith.constant 0.000000e+00 : f32
    %broadcast_in_dim3A_156 = vector.broadcast %broadcast_in_dim3A_155 : f32 to vector<16xf32>
    %swap3A_157 = arith.constant 624 : index
    %swap3A_158 = tpu.vector_load %arg12[%swap3A_157] {strides = array<i32>} : memref<1024xf32, #tpu.memory_space<vmem>>, vector<16xf32>,
    tpu.vector_store %arg12[%swap3A_157], %broadcast_in_dim3A_156 {strides = array<i32>} : memref<1024xf32, #tpu.memory_space<vmem>>, vector<16xf32>,
    %broadcast_in_dim3A_159 = arith.constant 0.000000e+00 : f32
    %broadcast_in_dim3A_160 = vector.broadcast %broadcast_in_dim3A_159 : f32 to vector<16xf32>
    %swap3A_161 = arith.constant 640 : index
    %swap3A_162 = tpu.vector_load %arg12[%swap3A_161] {strides = array<i32>} : memref<1024xf32, #tpu.memory_space<vmem>>, vector<16xf32>,
    tpu.vector_store %arg12[%swap3A_161], %broadcast_in_dim3A_160 {strides = array<i32>} : memref<1024xf32, #tpu.memory_space<vmem>>, vector<16xf32>,
    %broadcast_in_dim3A_163 = arith.constant 0.000000e+00 : f32
    %broadcast_in_dim3A_164 = vector.broadcast %broadcast_in_dim3A_163 : f32 to vector<16xf32>
    %swap3A_165 = arith.constant 656 : index
    %swap3A_166 = tpu.vector_load %arg12[%swap3A_165] {strides = array<i32>} : memref<1024xf32, #tpu.memory_space<vmem>>, vector<16xf32>,
    tpu.vector_store %arg12[%swap3A_165], %broadcast_in_dim3A_164 {strides = array<i32>} : memref<1024xf32, #tpu.memory_space<vmem>>, vector<16xf32>,
    %broadcast_in_dim3A_167 = arith.constant 0.000000e+00 : f32
    %broadcast_in_dim3A_168 = vector.broadcast %broadcast_in_dim3A_167 : f32 to vector<16xf32>
    %swap3A_169 = arith.constant 672 : index
    %swap3A_170 = tpu.vector_load %arg12[%swap3A_169] {strides = array<i32>} : memref<1024xf32, #tpu.memory_space<vmem>>, vector<16xf32>,
    tpu.vector_store %arg12[%swap3A_169], %broadcast_in_dim3A_168 {strides = array<i32>} : memref<1024xf32, #tpu.memory_space<vmem>>, vector<16xf32>,
    %broadcast_in_dim3A_171 = arith.constant 0.000000e+00 : f32
    %broadcast_in_dim3A_172 = vector.broadcast %broadcast_in_dim3A_171 : f32 to vector<16xf32>
    %swap3A_173 = arith.constant 688 : index
    %swap3A_174 = tpu.vector_load %arg12[%swap3A_173] {strides = array<i32>} : memref<1024xf32, #tpu.memory_space<vmem>>, vector<16xf32>,
    tpu.vector_store %arg12[%swap3A_173], %broadcast_in_dim3A_172 {strides = array<i32>} : memref<1024xf32, #tpu.memory_space<vmem>>, vector<16xf32>,
    %broadcast_in_dim3A_175 = arith.constant 0.000000e+00 : f32
    %broadcast_in_dim3A_176 = vector.broadcast %broadcast_in_dim3A_175 : f32 to vector<16xf32>
    %swap3A_177 = arith.constant 704 : index
    %swap3A_178 = tpu.vector_load %arg12[%swap3A_177] {strides = array<i32>} : memref<1024xf32, #tpu.memory_space<vmem>>, vector<16xf32>,
    tpu.vector_store %arg12[%swap3A_177], %broadcast_in_dim3A_176 {strides = array<i32>} : memref<1024xf32, #tpu.memory_space<vmem>>, vector<16xf32>,
    %broadcast_in_dim3A_179 = arith.constant 0.000000e+00 : f32
    %broadcast_in_dim3A_180 = vector.broadcast %broadcast_in_dim3A_179 : f32 to vector<16xf32>
    %swap3A_181 = arith.constant 720 : index
    %swap3A_182 = tpu.vector_load %arg12[%swap3A_181] {strides = array<i32>} : memref<1024xf32, #tpu.memory_space<vmem>>, vector<16xf32>,
    tpu.vector_store %arg12[%swap3A_181], %broadcast_in_dim3A_180 {strides = array<i32>} : memref<1024xf32, #tpu.memory_space<vmem>>, vector<16xf32>,
    %broadcast_in_dim3A_183 = arith.constant 0.000000e+00 : f32
    %broadcast_in_dim3A_184 = vector.broadcast %broadcast_in_dim3A_183 : f32 to vector<16xf32>
    %swap3A_185 = arith.constant 736 : index
    %swap3A_186 = tpu.vector_load %arg12[%swap3A_185] {strides = array<i32>} : memref<1024xf32, #tpu.memory_space<vmem>>, vector<16xf32>,
    tpu.vector_store %arg12[%swap3A_185], %broadcast_in_dim3A_184 {strides = array<i32>} : memref<1024xf32, #tpu.memory_space<vmem>>, vector<16xf32>,
    %broadcast_in_dim3A_187 = arith.constant 0.000000e+00 : f32
    %broadcast_in_dim3A_188 = vector.broadcast %broadcast_in_dim3A_187 : f32 to vector<16xf32>
    %swap3A_189 = arith.constant 752 : index
    %swap3A_190 = tpu.vector_load %arg12[%swap3A_189] {strides = array<i32>} : memref<1024xf32, #tpu.memory_space<vmem>>, vector<16xf32>,
    tpu.vector_store %arg12[%swap3A_189], %broadcast_in_dim3A_188 {strides = array<i32>} : memref<1024xf32, #tpu.memory_space<vmem>>, vector<16xf32>,
    %broadcast_in_dim3A_191 = arith.constant 0.000000e+00 : f32
    %broadcast_in_dim3A_192 = vector.broadcast %broadcast_in_dim3A_191 : f32 to vector<16xf32>
    %swap3A_193 = arith.constant 768 : index
    %swap3A_194 = tpu.vector_load %arg12[%swap3A_193] {strides = array<i32>} : memref<1024xf32, #tpu.memory_space<vmem>>, vector<16xf32>,
    tpu.vector_store %arg12[%swap3A_193], %broadcast_in_dim3A_192 {strides = array<i32>} : memref<1024xf32, #tpu.memory_space<vmem>>, vector<16xf32>,
    %broadcast_in_dim3A_195 = arith.constant 0.000000e+00 : f32
    %broadcast_in_dim3A_196 = vector.broadcast %broadcast_in_dim3A_195 : f32 to vector<16xf32>
    %swap3A_197 = arith.constant 784 : index
    %swap3A_198 = tpu.vector_load %arg12[%swap3A_197] {strides = array<i32>} : memref<1024xf32, #tpu.memory_space<vmem>>, vector<16xf32>,
    tpu.vector_store %arg12[%swap3A_197], %broadcast_in_dim3A_196 {strides = array<i32>} : memref<1024xf32, #tpu.memory_space<vmem>>, vector<16xf32>,
    %broadcast_in_dim3A_199 = arith.constant 0.000000e+00 : f32
    %broadcast_in_dim3A_200 = vector.broadcast %broadcast_in_dim3A_199 : f32 to vector<16xf32>
    %swap3A_201 = arith.constant 800 : index
    %swap3A_202 = tpu.vector_load %arg12[%swap3A_201] {strides = array<i32>} : memref<1024xf32, #tpu.memory_space<vmem>>, vector<16xf32>,
    tpu.vector_store %arg12[%swap3A_201], %broadcast_in_dim3A_200 {strides = array<i32>} : memref<1024xf32, #tpu.memory_space<vmem>>, vector<16xf32>,
    %broadcast_in_dim3A_203 = arith.constant 0.000000e+00 : f32
    %broadcast_in_dim3A_204 = vector.broadcast %broadcast_in_dim3A_203 : f32 to vector<16xf32>
    %swap3A_205 = arith.constant 816 : index
    %swap3A_206 = tpu.vector_load %arg12[%swap3A_205] {strides = array<i32>} : memref<1024xf32, #tpu.memory_space<vmem>>, vector<16xf32>,
    tpu.vector_store %arg12[%swap3A_205], %broadcast_in_dim3A_204 {strides = array<i32>} : memref<1024xf32, #tpu.memory_space<vmem>>, vector<16xf32>,
    %broadcast_in_dim3A_207 = arith.constant 0.000000e+00 : f32
    %broadcast_in_dim3A_208 = vector.broadcast %broadcast_in_dim3A_207 : f32 to vector<16xf32>
    %swap3A_209 = arith.constant 832 : index
    %swap3A_210 = tpu.vector_load %arg12[%swap3A_209] {strides = array<i32>} : memref<1024xf32, #tpu.memory_space<vmem>>, vector<16xf32>,
    tpu.vector_store %arg12[%swap3A_209], %broadcast_in_dim3A_208 {strides = array<i32>} : memref<1024xf32, #tpu.memory_space<vmem>>, vector<16xf32>,
    %broadcast_in_dim3A_211 = arith.constant 0.000000e+00 : f32
    %broadcast_in_dim3A_212 = vector.broadcast %broadcast_in_dim3A_211 : f32 to vector<16xf32>
    %swap3A_213 = arith.constant 848 : index
    %swap3A_214 = tpu.vector_load %arg12[%swap3A_213] {strides = array<i32>} : memref<1024xf32, #tpu.memory_space<vmem>>, vector<16xf32>,
    tpu.vector_store %arg12[%swap3A_213], %broadcast_in_dim3A_212 {strides = array<i32>} : memref<1024xf32, #tpu.memory_space<vmem>>, vector<16xf32>,
    %broadcast_in_dim3A_215 = arith.constant 0.000000e+00 : f32
    %broadcast_in_dim3A_216 = vector.broadcast %broadcast_in_dim3A_215 : f32 to vector<16xf32>
    %swap3A_217 = arith.constant 864 : index
    %swap3A_218 = tpu.vector_load %arg12[%swap3A_217] {strides = array<i32>} : memref<1024xf32, #tpu.memory_space<vmem>>, vector<16xf32>,
    tpu.vector_store %arg12[%swap3A_217], %broadcast_in_dim3A_216 {strides = array<i32>} : memref<1024xf32, #tpu.memory_space<vmem>>, vector<16xf32>,
    %broadcast_in_dim3A_219 = arith.constant 0.000000e+00 : f32
    %broadcast_in_dim3A_220 = vector.broadcast %broadcast_in_dim3A_219 : f32 to vector<16xf32>
    %swap3A_221 = arith.constant 880 : index
    %swap3A_222 = tpu.vector_load %arg12[%swap3A_221] {strides = array<i32>} : memref<1024xf32, #tpu.memory_space<vmem>>, vector<16xf32>,
    tpu.vector_store %arg12[%swap3A_221], %broadcast_in_dim3A_220 {strides = array<i32>} : memref<1024xf32, #tpu.memory_space<vmem>>, vector<16xf32>,
    %broadcast_in_dim3A_223 = arith.constant 0.000000e+00 : f32
    %broadcast_in_dim3A_224 = vector.broadcast %broadcast_in_dim3A_223 : f32 to vector<16xf32>
    %swap3A_225 = arith.constant 896 : index
    %swap3A_226 = tpu.vector_load %arg12[%swap3A_225] {strides = array<i32>} : memref<1024xf32, #tpu.memory_space<vmem>>, vector<16xf32>,
    tpu.vector_store %arg12[%swap3A_225], %broadcast_in_dim3A_224 {strides = array<i32>} : memref<1024xf32, #tpu.memory_space<vmem>>, vector<16xf32>,
    %broadcast_in_dim3A_227 = arith.constant 0.000000e+00 : f32
    %broadcast_in_dim3A_228 = vector.broadcast %broadcast_in_dim3A_227 : f32 to vector<16xf32>
    %swap3A_229 = arith.constant 912 : index
    %swap3A_230 = tpu.vector_load %arg12[%swap3A_229] {strides = array<i32>} : memref<1024xf32, #tpu.memory_space<vmem>>, vector<16xf32>,
    tpu.vector_store %arg12[%swap3A_229], %broadcast_in_dim3A_228 {strides = array<i32>} : memref<1024xf32, #tpu.memory_space<vmem>>, vector<16xf32>,
    %broadcast_in_dim3A_231 = arith.constant 0.000000e+00 : f32
    %broadcast_in_dim3A_232 = vector.broadcast %broadcast_in_dim3A_231 : f32 to vector<16xf32>
    %swap3A_233 = arith.constant 928 : index
    %swap3A_234 = tpu.vector_load %arg12[%swap3A_233] {strides = array<i32>} : memref<1024xf32, #tpu.memory_space<vmem>>, vector<16xf32>,
    tpu.vector_store %arg12[%swap3A_233], %broadcast_in_dim3A_232 {strides = array<i32>} : memref<1024xf32, #tpu.memory_space<vmem>>, vector<16xf32>,
    %broadcast_in_dim3A_235 = arith.constant 0.000000e+00 : f32
    %broadcast_in_dim3A_236 = vector.broadcast %broadcast_in_dim3A_235 : f32 to vector<16xf32>
    %swap3A_237 = arith.constant 944 : index
    %swap3A_238 = tpu.vector_load %arg12[%swap3A_237] {strides = array<i32>} : memref<1024xf32, #tpu.memory_space<vmem>>, vector<16xf32>,
    tpu.vector_store %arg12[%swap3A_237], %broadcast_in_dim3A_236 {strides = array<i32>} : memref<1024xf32, #tpu.memory_space<vmem>>, vector<16xf32>,
    %broadcast_in_dim3A_239 = arith.constant 0.000000e+00 : f32
    %broadcast_in_dim3A_240 = vector.broadcast %broadcast_in_dim3A_239 : f32 to vector<16xf32>
    %swap3A_241 = arith.constant 960 : index
    %swap3A_242 = tpu.vector_load %arg12[%swap3A_241] {strides = array<i32>} : memref<1024xf32, #tpu.memory_space<vmem>>, vector<16xf32>,
    tpu.vector_store %arg12[%swap3A_241], %broadcast_in_dim3A_240 {strides = array<i32>} : memref<1024xf32, #tpu.memory_space<vmem>>, vector<16xf32>,
    %broadcast_in_dim3A_243 = arith.constant 0.000000e+00 : f32
    %broadcast_in_dim3A_244 = vector.broadcast %broadcast_in_dim3A_243 : f32 to vector<16xf32>
    %swap3A_245 = arith.constant 976 : index
    %swap3A_246 = tpu.vector_load %arg12[%swap3A_245] {strides = array<i32>} : memref<1024xf32, #tpu.memory_space<vmem>>, vector<16xf32>,
    tpu.vector_store %arg12[%swap3A_245], %broadcast_in_dim3A_244 {strides = array<i32>} : memref<1024xf32, #tpu.memory_space<vmem>>, vector<16xf32>,
    %broadcast_in_dim3A_247 = arith.constant 0.000000e+00 : f32
    %broadcast_in_dim3A_248 = vector.broadcast %broadcast_in_dim3A_247 : f32 to vector<16xf32>
    %swap3A_249 = arith.constant 992 : index
    %swap3A_250 = tpu.vector_load %arg12[%swap3A_249] {strides = array<i32>} : memref<1024xf32, #tpu.memory_space<vmem>>, vector<16xf32>,
    tpu.vector_store %arg12[%swap3A_249], %broadcast_in_dim3A_248 {strides = array<i32>} : memref<1024xf32, #tpu.memory_space<vmem>>, vector<16xf32>,
    %broadcast_in_dim3A_251 = arith.constant 0.000000e+00 : f32
    %broadcast_in_dim3A_252 = vector.broadcast %broadcast_in_dim3A_251 : f32 to vector<16xf32>
    %swap3A_253 = arith.constant 1008 : index
    %swap3A_254 = tpu.vector_load %arg12[%swap3A_253] {strides = array<i32>} : memref<1024xf32, #tpu.memory_space<vmem>>, vector<16xf32>,
    tpu.vector_store %arg12[%swap3A_253], %broadcast_in_dim3A_252 {strides = array<i32>} : memref<1024xf32, #tpu.memory_space<vmem>>, vector<16xf32>,
    tpu.wait_dma2 semaphore(%arg14 : memref<!tpu.dma_semaphore, #tpu.memory_space<semaphore_mem>>) src(%arg3 : memref<250x128xf32, #tpu.memory_space<hbm>>) dst(%arg13 : memref<250x128xf32, #tpu.memory_space<vmem>>)
    %broadcast_in_dim3A_255 = arith.constant 3 : i32
    %broadcast_in_dim3A_256 = vector.broadcast %broadcast_in_dim3A_255 : i32 to vector<16xi32>
    %mul3A_257 = arith.constant 16 : i32
    %mul3A_258 = arith.muli %arg0, %mul3A_257 : i32
    %eq3A = arith.constant 0 : i32
    %eq3A_259 = arith.cmpi eq, %arg1, %eq3A : i32
    %convert_element_type3A = arith.extui %eq3A_259 : i1 to i32
    %cond3A = arith.constant 0 : i32
    %cond3A_260 = arith.cmpi ne, %convert_element_type3A, %cond3A : i32
    scf.if %cond3A_260 {
      %dma_start3A = arith.constant 0 : i32
      %dma_start3A_266 = tpu.memref_slice %arg2[%mul3A_258, %dma_start3A] : memref<32x1000000xf32, #tpu.memory_space<hbm>> -> memref<1x1000000xf32, #tpu.memory_space<hbm>>
      %dma_start3A_267 = tpu.memref_squeeze %dma_start3A_266 : memref<1x1000000xf32, #tpu.memory_space<hbm>> -> memref<1000000xf32, #tpu.memory_space<hbm>>
      tpu.enqueue_dma source(%dma_start3A_267 : memref<1000000xf32, #tpu.memory_space<hbm>>) target(%arg8 : memref<1000000xf32, #tpu.memory_space<vmem_shared>>) target_semaphore(%arg16 : memref<!tpu.dma_semaphore, #tpu.memory_space<semaphore_mem>>)
    } else {
    }
    %scan3A = arith.constant 0 : i32
    %scan3A_261 = arith.constant 0 : i32
    %scan3A_262 = arith.constant 16 : i32
    %scan3A_263 = arith.addi %scan3A_261, %scan3A_262 : i32
    %scan3A_264 = arith.constant 1 : i32
    scf.for %scan3A_266 = %scan3A_261 to %scan3A_263 step %scan3A_264  : i32 {
      %mul3A_267 = arith.constant 16 : i32
      %mul3A_268 = arith.muli %arg0, %mul3A_267 : i32
      %add3A = arith.addi %mul3A_268, %scan3A_266 : i32
      %eq3A_269 = arith.constant 0 : i32
      %eq3A_270 = arith.cmpi eq, %arg1, %eq3A_269 : i32
      %convert_element_type3A_271 = arith.extui %eq3A_270 : i1 to i32
      %cond3A_272 = arith.constant 0 : i32
      %cond3A_273 = arith.cmpi ne, %convert_element_type3A_271, %cond3A_272 : i32
      scf.if %cond3A_273 {
        %dma_wait3A_289 = arith.constant 0 : i32
        %dma_wait3A_290 = tpu.memref_slice %arg2[%add3A, %dma_wait3A_289] : memref<32x1000000xf32, #tpu.memory_space<hbm>> -> memref<1x1000000xf32, #tpu.memory_space<hbm>>
        %dma_wait3A_291 = tpu.memref_squeeze %dma_wait3A_290 : memref<1x1000000xf32, #tpu.memory_space<hbm>> -> memref<1000000xf32, #tpu.memory_space<hbm>>
        tpu.wait_dma2 semaphore(%arg16 : memref<!tpu.dma_semaphore, #tpu.memory_space<semaphore_mem>>) src(%dma_wait3A_291 : memref<1000000xf32, #tpu.memory_space<hbm>>) dst(%arg8 : memref<1000000xf32, #tpu.memory_space<vmem_shared>>)
      } else {
      }
      %barrier3A = arith.constant 0 : index
      tpu.barrier barrier_id(%barrier3A)
      %dma_start3A = arith.constant 0 : i32
      %dma_start3A_274 = tpu.memref_slice %arg8[%dma_start3A] : memref<1000000xf32, #tpu.memory_space<vmem_shared>> -> memref<1000000xf32, #tpu.memory_space<vmem_shared>>
      tpu.enqueue_indirect_dma source(%dma_start3A_274 : memref<1000000xf32, #tpu.memory_space<vmem_shared>>) target(%arg11 : memref<2048xf32, #tpu.memory_space<vmem>>) offsets(%arg9 : memref<2048xi32, #tpu.memory_space<vmem>>) semaphore(%arg15 : memref<!tpu.dma_semaphore, #tpu.memory_space<semaphore_mem>>)
      %dma_wait3A = arith.constant 0 : i32
      %dma_wait3A_275 = tpu.memref_slice %arg8[%dma_wait3A] : memref<1000000xf32, #tpu.memory_space<vmem_shared>> -> memref<1000000xf32, #tpu.memory_space<vmem_shared>>
      tpu.wait_indirect_dma semaphore(%arg15 : memref<!tpu.dma_semaphore, #tpu.memory_space<semaphore_mem>>) src(%dma_wait3A_275 : memref<1000000xf32, #tpu.memory_space<vmem_shared>>) dst(%arg11 : memref<2048xf32, #tpu.memory_space<vmem>>)
      %barrier3A_276 = arith.constant 0 : index
      tpu.barrier barrier_id(%barrier3A_276)
      %add3A_277 = arith.constant 1 : i32
      %add3A_278 = arith.addi %scan3A_266, %add3A_277 : i32
      %lt3A = arith.constant 16 : i32
      %lt3A_279 = arith.cmpi slt, %add3A_278, %lt3A : i32
      %convert_element_type3A_280 = arith.extui %lt3A_279 : i1 to i32
      %cond3A_281 = arith.constant 0 : i32
      %cond3A_282 = arith.cmpi ne, %convert_element_type3A_280, %cond3A_281 : i32
      scf.if %cond3A_282 {
        %add3A_289 = arith.constant 1 : i32
        %add3A_290 = arith.addi %add3A, %add3A_289 : i32
        %eq3A_291 = arith.constant 0 : i32
        %eq3A_292 = arith.cmpi eq, %arg1, %eq3A_291 : i32
        %convert_element_type3A_293 = arith.extui %eq3A_292 : i1 to i32
        %cond3A_294 = arith.constant 0 : i32
        %cond3A_295 = arith.cmpi ne, %convert_element_type3A_293, %cond3A_294 : i32
        scf.if %cond3A_295 {
          %dma_start3A_296 = arith.constant 0 : i32
          %dma_start3A_297 = tpu.memref_slice %arg2[%add3A_290, %dma_start3A_296] : memref<32x1000000xf32, #tpu.memory_space<hbm>> -> memref<1x1000000xf32, #tpu.memory_space<hbm>>
          %dma_start3A_298 = tpu.memref_squeeze %dma_start3A_297 : memref<1x1000000xf32, #tpu.memory_space<hbm>> -> memref<1000000xf32, #tpu.memory_space<hbm>>
          tpu.enqueue_dma source(%dma_start3A_298 : memref<1000000xf32, #tpu.memory_space<hbm>>) target(%arg8 : memref<1000000xf32, #tpu.memory_space<vmem_shared>>) target_semaphore(%arg16 : memref<!tpu.dma_semaphore, #tpu.memory_space<semaphore_mem>>)
        } else {
        }
      } else {
      }
      %scan3A_283 = arith.constant 0 : i32
      %scan3A_284 = arith.constant 0 : i32
      %scan3A_285 = arith.constant 64 : i32
      %scan3A_286 = arith.addi %scan3A_284, %scan3A_285 : i32
      %scan3A_287 = arith.constant 1 : i32
      scf.for %scan3A_289 = %scan3A_284 to %scan3A_286 step %scan3A_287  : i32 {
        %mul3A_290 = arith.constant 16 : i32
        %mul3A_291 = arith.muli %scan3A_289, %mul3A_290 : i32
        %get3A = arith.index_cast %mul3A_291 : i32 to index
        %get3A_292 = tpu.vector_load %arg10[%get3A] {strides = array<i32>} : memref<1024xi32, #tpu.memory_space<vmem>>, vector<16xi32>,
        %shift_right_logical3A = arith.constant 2 : i32
        %shift_right_logical3A_293 = vector.broadcast %shift_right_logical3A : i32 to vector<16xi32>
        %shift_right_logical3A_294 = arith.shrui %get3A_292, %shift_right_logical3A_293 : vector<16xi32>
        %and3A = arith.andi %get3A_292, %broadcast_in_dim3A_256 : vector<16xi32>
        %shift_left3A = arith.constant 5 : i32
        %shift_left3A_295 = vector.broadcast %shift_left3A : i32 to vector<16xi32>
        %shift_left3A_296 = arith.shli %and3A, %shift_left3A_295 : vector<16xi32>
        %add3A_297 = vector.broadcast %add3A : i32 to vector<16xi32>
        %add3A_298 = arith.addi %shift_left3A_296, %add3A_297 : vector<16xi32>
        %gather3A = tpu.vector_load_idx %arg13[%shift_right_logical3A_294, %add3A_298] : memref<250x128xf32, #tpu.memory_space<vmem>>[vector<16xi32>, vector<16xi32>], vector<16xf32>,
        %get3A_299 = arith.index_cast %mul3A_291 : i32 to index
        %get3A_300 = tpu.vector_load %arg11[%get3A_299] {strides = array<i32>} : memref<2048xf32, #tpu.memory_space<vmem>>, vector<16xf32>,
        %mul3A_301 = arith.constant 16 : i32
        %mul3A_302 = arith.muli %scan3A_289, %mul3A_301 : i32
        %add3A_303 = arith.constant 1024 : i32
        %add3A_304 = arith.addi %add3A_303, %mul3A_302 : i32
        %get3A_305 = arith.index_cast %add3A_304 : i32 to index
        %get3A_306 = tpu.vector_load %arg11[%get3A_305] {strides = array<i32>} : memref<2048xf32, #tpu.memory_space<vmem>>, vector<16xf32>,
        %add3A_307 = arith.addf %get3A_306, %gather3A : vector<16xf32>
        %sub3A = arith.subf %get3A_300, %add3A_307 : vector<16xf32>
        %get3A_308 = arith.index_cast %mul3A_291 : i32 to index
        %get3A_309 = tpu.vector_load %arg12[%get3A_308] {strides = array<i32>} : memref<1024xf32, #tpu.memory_space<vmem>>, vector<16xf32>,
        %mul3A_310 = arith.mulf %sub3A, %sub3A : vector<16xf32>
        %add3A_311 = arith.addf %get3A_309, %mul3A_310 : vector<16xf32>
        %swap3A_312 = arith.index_cast %mul3A_291 : i32 to index
        %swap3A_313 = tpu.vector_load %arg12[%swap3A_312] {strides = array<i32>} : memref<1024xf32, #tpu.memory_space<vmem>>, vector<16xf32>,
        tpu.vector_store %arg12[%swap3A_312], %add3A_311 {strides = array<i32>} : memref<1024xf32, #tpu.memory_space<vmem>>, vector<16xf32>,
      }
      %scan3A_288 = arith.constant 64 : i32
    }
    %scan3A_265 = arith.constant 16 : i32
    "tpu.region"() ({
      %run_scoped3A = tpu.sem_alloc : memref<!tpu.dma_semaphore, #tpu.memory_space<semaphore_mem>>
      %dma_start3A = tpu.memref_slice %arg7[%arg0, %mul3A_0] : memref<2x16384xf32, #tpu.memory_space<hbm>> -> memref<1x1024xf32, #tpu.memory_space<hbm>>
      %dma_start3A_266 = tpu.memref_squeeze %dma_start3A : memref<1x1024xf32, #tpu.memory_space<hbm>> -> memref<1024xf32, #tpu.memory_space<hbm>>
      %dma_start3A_267 = tpu.memref_slice %arg7[%arg0, %mul3A_0] : memref<2x16384xf32, #tpu.memory_space<hbm>> -> memref<1x1024xf32, #tpu.memory_space<hbm>>
      %dma_start3A_268 = tpu.memref_squeeze %dma_start3A_267 : memref<1x1024xf32, #tpu.memory_space<hbm>> -> memref<1024xf32, #tpu.memory_space<hbm>>
      tpu.enqueue_dma source(%arg12 : memref<1024xf32, #tpu.memory_space<vmem>>) target(%dma_start3A_268 : memref<1024xf32, #tpu.memory_space<hbm>>) target_semaphore(%run_scoped3A : memref<!tpu.dma_semaphore, #tpu.memory_space<semaphore_mem>>)
      %dma_wait3A = tpu.memref_slice %arg7[%arg0, %mul3A_0] : memref<2x16384xf32, #tpu.memory_space<hbm>> -> memref<1x1024xf32, #tpu.memory_space<hbm>>
      %dma_wait3A_269 = tpu.memref_squeeze %dma_wait3A : memref<1x1024xf32, #tpu.memory_space<hbm>> -> memref<1024xf32, #tpu.memory_space<hbm>>
      %dma_wait3A_270 = tpu.memref_slice %arg7[%arg0, %mul3A_0] : memref<2x16384xf32, #tpu.memory_space<hbm>> -> memref<1x1024xf32, #tpu.memory_space<hbm>>
      %dma_wait3A_271 = tpu.memref_squeeze %dma_wait3A_270 : memref<1x1024xf32, #tpu.memory_space<hbm>> -> memref<1024xf32, #tpu.memory_space<hbm>>
      tpu.wait_dma2 semaphore(%run_scoped3A : memref<!tpu.dma_semaphore, #tpu.memory_space<semaphore_mem>>) src(%arg12 : memref<1024xf32, #tpu.memory_space<vmem>>) dst(%dma_wait3A_271 : memref<1024xf32, #tpu.memory_space<hbm>>)
      tpu.yield
    }) : () -> ()
    return
  }
}

</mosaic_0001>

<sc_bundles>
// kernel: kernel.4.cloned.1.call-start
scs
__scs_entry_jumppad:
0x0: {  	(pc) =	sbr.rel $0x88, $3  }
0x1: {  	(tag) =	ssettag $0x0;
	lr =	simm.s32 $0x1  }
0x2: {  	[smem:$0x3F9C] =	sst lr;
	_ =	strace $0xD0000000  }
0x3: {  	_ = 	snop  }
0x4: {  	_ = 	snop  }
0x5: {  	_ = 	snop  }
0x6: {  	_ = 	snop  }
0x7: {  	_ = 	snop  }
__scs_overlays_trampoline_lowered:
0x8: {  	[smem:$0x3FAB] =	sst s0  }
0x9: {  	[smem:$0x3FAC] =	sst s1  }
0xa: {  	[smem:$0x3FAD] =	sst s2  }
0xb: {  	[smem:$0x3FAE] =	sst s3  }
0xc: {  	[smem:$0x3FAF] =	sst s4  }
0xd: {  	[smem:$0x3FB0] =	sst s5  }
0xe: {  	[smem:$0x3FB1] =	sst s6  }
0xf: {  	[smem:$0x3FB2] =	sst s7  }
0x10: {  	[smem:$0x3FB3] =	sst s8  }
0x11: {  	[smem:$0x3FB4] =	sst s9;
	s0 =	simm.s32 @!p0 $0x0  }
0x12: {  	s1 =	sld [smem:$0x3F9A];
	s0 =	simm.s32 @p0 $0x1  }
0x13: {  	[smem:$0x3FB5] =	sst s0;
	s0 =	simm.s32 @!p1 $0x0  }
0x14: {  	s2 =	sld [smem:$0x3F99];
	s0 =	simm.s32 @p1 $0x1  }
0x15: {  	[smem:$0x3FB6] =	sst s0;
	s0 =	simm.s32 @!p2 $0x0  }
0x16: {  	s3 =	sld [smem:$0x3FDB];
	s0 =	simm.s32 @p2 $0x1  }
0x17: {  	s4 =	simm.s32 $0x1BF5;
	[smem:$0x3FB8] =	sst s0  }
0x18: {  	s0 =	sld [smem:$0x3F9B];
	_ =	swait.ge [sflag:s4], $0x0  }
0x19: {  	s7 =	sld [smem:$0x3F9C]  }
0x1a: {  	s8 =	sadd.s32 $0xFFFFE003, lr  }
0x1b: {  	s9 =	sadd.s32 $0xFFFFFEF7, lr;
	s5 =	simm.s32 $0xFFFFFFFF;
	p2 =	slt.u32 s8, $0xFFFFF086  }
0x1c: {  	p1 =	slt.u32 s9, $0xF7A;
	s5 =	simm.s32 @!p2 $0x0  }
0x1d: {  	s5 =	simm.s32 @p1 $0x1;
	p0 =	seq.s32 s7, s2  }
0x1e: {  	s7 =	smul.u32 @!p0 $0xF7A, s2;
	p2 =	seq.s32 @!p0 s5, $0x0  }
0x1f: {  	s9 =	smul.u32 $0xF7A, s1;
	s8 =	simm.s32 @!p0 $0x1BF5;
	p2 =	por !p2, p0  }
0x20: {  	[sflag:s8] =	ssyncset.s32 @!p0 $0xFFFFF086;
	s6 =	sadd.s32 @!p0 s3, s7;
	s7 =	simm.s32 @!p0 $0x108  }
0x21: {  	s3 =	sadd.s32 s3, s9;
	s6 =	sadd.s32 @!p0 $0x88, s6;
	s7 =	simm.s32 @p2 $0x1082  }
0x22: {  	[simem:s7], [sflag:s8] =	dma.local @!p0 [hbm:s6], $0xF7A  }
0x23: {  	s9 =	sor.u32 $0xD0000000, s2;
	s6 =	simm.s32 $0x108;
	_ =	swait.ge @!p0 [sflag:s8], $0x0  }
0x24: {  	s3 =	sadd.s32 $0x88, s3;
	s6 =	simm.s32 @!p1 $0x1082;
	[sflag:s4] =	ssyncset.s32 $0xFFFFF086  }
0x25: {  	[simem:s6], [sflag:s4] =	dma.local [hbm:s3], $0xF7A  }
0x26: {  	[smem:$0x3F9C] =	sst s1;
	(tag) =	ssettag s2;
	_ =	strace s9  }
0x27: {  	s1 =	sld [smem:$0x3FAC]  }
0x28: {  	s2 =	sld [smem:$0x3FAD]  }
0x29: {  	s4 =	sld [smem:$0x3FAF]  }
0x2a: {  	p0 =	seq.s32 s5, $0x0;
	s5 =	sld [smem:$0x3FB0]  }
0x2b: {  	s6 =	sld [smem:$0x3FB1]  }
0x2c: {  	s7 =	sld [smem:$0x3FB2]  }
0x2d: {  	s3 =	simm.s32 $0x108;
	s8 =	sld [smem:$0x3FB3]  }
0x2e: {  	s3 =	simm.s32 @!p0 $0x1082;
	s9 =	sld [smem:$0x3FB4]  }
0x2f: {  	lr =	sadd.s32 s0, s3;
	s0 =	sld [smem:$0x3FAB]  }
0x30: {  	s3 =	sld [smem:$0x3FAE]  }
0x31: {  	[smem:$0x3FB7] =	sst s10  }
0x32: {  	s10 =	sld [smem:$0x3FB5];
	_ =	sdelay $0x3  }
0x33: {  	p0 =	seq.s32 s10, $0x1;
	s10 =	sld [smem:$0x3FB7];
	_ =	sdelay $0x3  }
0x34: {  	[smem:$0x3FB7] =	sst s10  }
0x35: {  	s10 =	sld [smem:$0x3FB6];
	_ =	sdelay $0x3  }
0x36: {  	p1 =	seq.s32 s10, $0x1;
	s10 =	sld [smem:$0x3FB7];
	_ =	sdelay $0x3  }
0x37: {  	[smem:$0x3FB7] =	sst s10  }
0x38: {  	s10 =	sld [smem:$0x3FB8]  }
0x39: {  	_ = 	snop;
	(pc) =	sbr.ind lr, $3  }
0x3a: {  	_ = 	snop  }
0x3b: {  	_ = 	snop  }
0x3c: {  	p2 =	seq.s32 s10, $0x1;
	s10 =	sld [smem:$0x3FB7]  }
0x3d: {  	_ =	shalt  }
0x3e: {  	_ =	shalt  }
0x3f: {  	_ =	shalt  }
0x40: {  	_ =	shalt  }
0x41: {  	_ =	shalt  }
0x42: {  	_ =	shalt  }
0x43: {  	_ =	shalt  }
0x44: {  	_ =	shalt  }
0x45: {  	_ =	shalt  }
0x46: {  	_ =	shalt  }
0x47: {  	_ =	shalt  }
0x48: {  	_ =	shalt  }
0x49: {  	_ =	shalt  }
0x4a: {  	_ =	shalt  }
0x4b: {  	_ =	shalt  }
0x4c: {  	_ =	shalt  }
0x4d: {  	_ =	shalt  }
0x4e: {  	_ =	shalt  }
0x4f: {  	_ =	shalt  }
0x50: {  	_ =	shalt  }
0x51: {  	_ =	shalt  }
0x52: {  	_ =	shalt  }
0x53: {  	_ =	shalt  }
0x54: {  	_ =	shalt  }
0x55: {  	_ =	shalt  }
0x56: {  	_ =	shalt  }
0x57: {  	_ =	shalt  }
0x58: {  	_ =	shalt  }
0x59: {  	_ =	shalt  }
0x5a: {  	_ =	shalt  }
0x5b: {  	_ =	shalt  }
0x5c: {  	_ =	shalt  }
0x5d: {  	_ =	shalt  }
0x5e: {  	_ =	shalt  }
0x5f: {  	_ =	shalt  }
0x60: {  	_ =	shalt  }
0x61: {  	_ =	shalt  }
0x62: {  	_ =	shalt  }
0x63: {  	_ =	shalt  }
0x64: {  	_ =	shalt  }
0x65: {  	_ =	shalt  }
0x66: {  	_ =	shalt  }
0x67: {  	_ =	shalt  }
0x68: {  	_ =	shalt  }
0x69: {  	_ =	shalt  }
0x6a: {  	_ =	shalt  }
0x6b: {  	_ =	shalt  }
0x6c: {  	_ =	shalt  }
0x6d: {  	_ =	shalt  }
0x6e: {  	_ =	shalt  }
0x6f: {  	_ =	shalt  }
0x70: {  	_ =	shalt  }
0x71: {  	_ =	shalt  }
0x72: {  	_ =	shalt  }
0x73: {  	_ =	shalt  }
0x74: {  	_ =	shalt  }
0x75: {  	_ =	shalt  }
0x76: {  	_ =	shalt  }
0x77: {  	_ =	shalt  }
0x78: {  	_ =	shalt  }
0x79: {  	_ =	shalt  }
0x7a: {  	_ =	shalt  }
0x7b: {  	_ =	shalt  }
0x7c: {  	_ =	shalt  }
0x7d: {  	_ =	shalt  }
0x7e: {  	_ =	shalt  }
0x7f: {  	_ =	shalt  }
0x80: {  	_ =	shalt  }
0x81: {  	_ =	shalt  }
0x82: {  	_ =	shalt  }
0x83: {  	_ =	shalt  }
0x84: {  	_ =	shalt  }
0x85: {  	_ =	shalt  }
0x86: {  	_ =	shalt  }
0x87: {  	_ =	shalt  }
.Lfunc_end0:
.L_simem_size_0:
called_computation_lowered:
.L_overlay_start_0:
0x88: {  	s2 =	sld [smem:$0x3FD9]  }
0x89: {  	s3 =	sld [smem:$0x3FFE];
	_ =	sdelay $0x1  }
0x8a: {  	s1 =	srdreg.scid  }
0x8b: {  	s0 =	sand.u32 $0x1, s1  }
0x8c: {  	s17 =	sshll.u32 s0, $0xA;
	s2 =	sadd.s32 s3, s2  }
0x8d: {  	s2 =	sadd.s32 s2, s17  }
0x8e: {  	[smem:$0x3FC3] =	sst s2  }
0x8f: {  	_ = 	snop  }
0x90: {  	s2 =	sld [smem:$0x3FC9]  }
0x91: {  	s18 =	sld [smem:$0x3FC7]  }
0x92: {  	s4 =	sld [smem:$0x3FC6]  }
0x93: {  	s5 =	sld [smem:$0x3FC5];
	(tm) =	ssettm $0x1  }
0x94: {  	s6 =	sld [smem:$0x3FFB];
	_ =	sdelay $0x3  }
0x95: {  	_ =	strace s6  }
0x96: {  	s6 =	sld [smem:$0x3FFC];
	_ =	sdelay $0x3  }
0x97: {  	_ =	strace s6  }
0x98: {  	s6 =	sld [smem:$0x3FFD];
	_ =	sdelay $0x3  }
0x99: {  	_ =	strace s6  }
0x9a: {  	_ =	strace $0x8FFFFFFF  }
0x9b: {  	s19 =	sld [smem:$0x3FDB];
	_ =	sdelay $0x1  }
0x9c: {  	s7 =	simm.s32 $_scs_section_size  }
0x9d: {  	s8 =	simm.s32 $_size__tile_overlayer_lowered;
	s9 =	simm.s32 $_tile_overlayer_lowered  }
0x9e: {  	s22 =	simm.s32 $0x1BFF;
	s21 =	sshll.u32 s9, $0x1;
	s6 =	sadd.s32 s7, s19  }
0x9f: {  	s10 =	simm.s32 $0x0;
	s20 =	sshll.u32 s8, $0x1;
	s8 =	sadd.s32 s21, s6  }
0xa0: {  	[timem:s10], [sflag:s22] =	dma.local [hbm:s8], s20  }
0xa1: {  	_ =	swait.ge [sflag:s22], s20  }
0xa2: {  	s7 =	ssub.s32 $0x0, s20;
	[sflag:s22] =	ssyncset.done $0x0  }
0xa3: {  	[sflag:s22] =	ssyncadd.s32 s7;
	_ =	sdelay $0x1  }
0xa4: {  	s23 =	simm.s32 $0x1B8B  }
0xa5: {  	_ =	swait.ge [sflag:s23], $0x1  }
0xa6: {  	[sflag:s23] =	ssyncset.done $0x0  }
0xa7: {  	s25 =	simm.s32 $0x1B8E;
	s24 =	sld [smem:$0x3FFE];
	[sflag:s23] =	ssyncadd.s32 $0xFFFFFFFF  }
0xa8: {  	s26 =	simm.s32 $execute0_lowered;
	[smem:$0x3FD2] =	sst s25  }
0xa9: {  	s8 =	sshll.u32 s26, $0x1;
	_ =	strace $0x80000046;
	[dreg:$0x1] =	wrdreg $0xFFFFFFFF  }
0xaa: {  	s28 =	simm.s32 $_size_execute0_lowered;
	s6 =	sadd.s32 s6, s8;
	[dreg:$0x0] =	wrdreg $0x0  }
0xab: {  	s8 =	sshll.u32 s28, $0x1;
	[dreg:$0x2] =	wrdreg s6  }
0xac: {  	[dreg:$0x3] =	wrdreg s8  }
0xad: {  	[dreg:$0x4] =	wrdreg $0xC0  }
0xae: {  	_ =	task [dreg:s10], $0x5FFFF  }
0xaf: {  	[dreg:$0x1] =	wrdreg $0xFFFFFFFF  }
0xb0: {  	[dreg:$0x0] =	wrdreg $0x60  }
0xb1: {  	[dreg:$0x2] =	wrdreg s2  }
0xb2: {  	[dreg:$0x3] =	wrdreg s24  }
0xb3: {  	[dreg:$0x4] =	wrdreg s18  }
0xb4: {  	[dreg:$0x5] =	wrdreg s4  }
0xb5: {  	[dreg:$0x6] =	wrdreg s5  }
0xb6: {  	[dreg:$0x7] =	wrdreg $0x0  }
0xb7: {  	[dreg:$0x8] =	wrdreg $0x9  }
0xb8: {  	_ =	task.clear_ibuf [dreg:s10], $0x9FFFF;
	_ =	strace $0x90000046  }
0xb9: {  	s29 =	simm.s32 $0x9;
	_ =	strace $0x80000048  }
0xba: {  	_ =	swait.ge [sflag:s29], $0x1  }
0xbb: {  	[sflag:s29] =	ssyncadd.s32 $0xFFFFFFFF  }
0xbc: {  	_ =	strace $0x90000048  }
0xbd: {  	_ =	sfence  }
0xbe: {  	s30 =	sld [smem:$0x0];
	_ =	sdelay $0x2  }
0xbf: {  	s31 =	sshll.u32 s1, $0xD;
	s1 =	sshrl.u32 s1, $0x2  }
0xc0: {  	s3 =	sand.u32 $0x4000, s31;
	s1 =	sadd.s32 s1, s30  }
0xc1: {  	s0 =	sor.u32 s3, s0;
	s1 =	sshll.u32 s1, $0x11  }
0xc2: {  	s0 =	sor.u32 s1, s0  }
0xc3: {  	s0 =	sadd.s32 $0x8F2B, s0  }
0xc4: {  	[sflag:s0] =	ssyncadd.remote.s32 $0x1  }
0xc5: {  	_ =	sfence.sel $0xFFFF  }
0xc6: {  	[dreg:$0x0] =	wrdreg $0xFFFFFFFF;
	(pc) =	sbr.abs _section_cstart, $3  }
0xc7: {  	[dreg:$0x1] =	wrdreg $0xFFFFFFFF  }
0xc8: {  	_ =	task.clear_ibuf [dreg:s10], $0x2FFFF;
	_ =	strace $0x9FFFFFFF  }
0xc9: {  	(tm) =	ssettm $0x7FFFFFFF  }
tec
execute0_lowered:
.L_overlay_start_1:
0x0: {  	(tag) =	ssettag $0x1  }
0x1: {  	s0 =	rddreg [dreg:$0x0]  }
0x2: {  	s1 =	rddreg [dreg:$0x1]  }
0x3: {  	s6 =	rddreg [dreg:$0x2]  }
0x4: {  	s8 =	rddreg [dreg:$0x3]  }
0x5: {  	s7 =	rddreg [dreg:$0x4]  }
0x6: {  	s2 =	rddreg [dreg:$0x5];
	s3 =	simm.s32 $0x0;
	s4 =	srdreg.scid  }
0x7: {  	s12 =	stileid.u32;
	s14 =	simm.s32 $0x4;
	s17 =	simm.s32 $0x1  }
0x8: {  	s19 =	simm.s32 $0x800;
	s20 =	simm.s32 $0x10028;
	s21 =	simm.s32 $0x2  }
0x9: {  	s22 =	simm.s32 $0x80;
	s23 =	simm.s32 $0x100;
	s24 =	simm.s32 $0x10828  }
0xa: {  	s25 =	simm.s32 $0x0;
	[smem:$0x7FF] =	sst s3;
	s9 =	sand.u32 $0x1, s4  }
0xb: {  	s4 =	sadd.s32 $0x800, s1;
	s31 =	sshll.u32 s12, $0x7;
	s13 =	sshll.u32 s12, $0x8  }
0xc: {  	p0 =	sne.s32 s12, $0x0;
	s12 =	simm.s32 $0x10C28;
	_ =	strace $0x80000047  }
0xd: {  	s10 =	ssub.s32 $0x2, s9;
	s5 =	sshll.u32 s9, $0x4;
	s6 =	sadd.s32 s6, s31  }
0xe: {  	s9 =	smul.u32 $0x1E8500, s9;
	s7 =	sadd.s32 s7, s31;
	s8 =	sadd.s32 s8, s31  }
0xf: {  	s18 =	sshrl.u32 @!p0 s2, $0x3;
	s11 =	sshrl.u32 s10, $0x1;
	s1 =	sadd.s32 s5, s1  }
0x10: {  	s11 =	ssub.s32 s10, s11;
	s1 =	sadd.s32 s13, s1;
	s9 =	sadd.s32 s0, s9  }
0x11: {  	v0 =	vimm.f32 $0.0e+00;
	s13 =	simm.s32 $0xF428;
	s10 =	sadd.s32 $0x1800, s1;
	s11 =	smax.u32 s11, $0x1  }
.LBB2_1:
0x12: {  	[tilespmem:s12], [sflag:$0x1] =	stream.linear.gather [hbm4b:s4+s3], $0x7D00, $0x38;
	[tilespmem:$0x18C28] =	vst v63  }
0x13: {  	_ = 	snop  }
0x14: {  	[tilespmem:s13], [sflag:$0x4] =	stream.linear.gather [hbm4b:s6+s3], $0x400, $0x38;
	[tilespmem:$0x18C28] =	vst v63  }
0x15: {  	_ =	swait.ge [sflag:s14], $0x400  }
0x16: {  	[sflag:s14] =	ssyncset.done $0x0  }
0x17: {  	s1 =	simm.s32 $0xF828;
	[sflag:s14] =	ssyncadd.s32 $0xFFFFFC00  }
0x18: {  	[tilespmem:s1], [sflag:$0x4] =	stream.linear.gather [hbm4b:s7+s3], $0x400, $0x38;
	[tilespmem:$0x18C28] =	vst v63  }
0x19: {  	_ =	swait.ge [sflag:s14], $0x400  }
0x1a: {  	[sflag:s14] =	ssyncset.done $0x0  }
0x1b: {  	s31 =	simm.s32 $0xFC28;
	[sflag:s14] =	ssyncadd.s32 $0xFFFFFC00  }
0x1c: {  	[tilespmem:s31], [sflag:$0x4] =	stream.linear.gather [hbm4b:s8+s3], $0x400, $0x38;
	[tilespmem:$0x18C28] =	vst v63  }
0x1d: {  	_ =	swait.ge [sflag:s14], $0x400  }
0x1e: {  	[sflag:s14] =	ssyncset.done $0x0  }
0x1f: {  	[sflag:s14] =	ssyncadd.s32 $0xFFFFFC00  }
0x20: {  	[tilespmem:$0x10828] =	vst v0  }
0x21: {  	[tilespmem:$0x10838] =	vst v0  }
0x22: {  	[tilespmem:$0x10848] =	vst v0  }
0x23: {  	[tilespmem:$0x10858] =	vst v0  }
0x24: {  	[tilespmem:$0x10868] =	vst v0  }
0x25: {  	[tilespmem:$0x10878] =	vst v0  }
0x26: {  	[tilespmem:$0x10888] =	vst v0  }
0x27: {  	[tilespmem:$0x10898] =	vst v0  }
0x28: {  	[tilespmem:$0x108A8] =	vst v0  }
0x29: {  	[tilespmem:$0x108B8] =	vst v0  }
0x2a: {  	[tilespmem:$0x108C8] =	vst v0  }
0x2b: {  	[tilespmem:$0x108D8] =	vst v0  }
0x2c: {  	[tilespmem:$0x108E8] =	vst v0  }
0x2d: {  	[tilespmem:$0x108F8] =	vst v0  }
0x2e: {  	[tilespmem:$0x10908] =	vst v0  }
0x2f: {  	[tilespmem:$0x10918] =	vst v0  }
0x30: {  	[tilespmem:$0x10928] =	vst v0  }
0x31: {  	[tilespmem:$0x10938] =	vst v0  }
0x32: {  	[tilespmem:$0x10948] =	vst v0  }
0x33: {  	[tilespmem:$0x10958] =	vst v0  }
0x34: {  	[tilespmem:$0x10968] =	vst v0  }
0x35: {  	[tilespmem:$0x10978] =	vst v0  }
0x36: {  	[tilespmem:$0x10988] =	vst v0  }
0x37: {  	[tilespmem:$0x10998] =	vst v0  }
0x38: {  	[tilespmem:$0x109A8] =	vst v0  }
0x39: {  	[tilespmem:$0x109B8] =	vst v0  }
0x3a: {  	[tilespmem:$0x109C8] =	vst v0  }
0x3b: {  	[tilespmem:$0x109D8] =	vst v0  }
0x3c: {  	[tilespmem:$0x109E8] =	vst v0  }
0x3d: {  	[tilespmem:$0x109F8] =	vst v0  }
0x3e: {  	[tilespmem:$0x10A08] =	vst v0  }
0x3f: {  	[tilespmem:$0x10A18] =	vst v0  }
0x40: {  	[tilespmem:$0x10A28] =	vst v0  }
0x41: {  	[tilespmem:$0x10A38] =	vst v0  }
0x42: {  	[tilespmem:$0x10A48] =	vst v0  }
0x43: {  	[tilespmem:$0x10A58] =	vst v0  }
0x44: {  	[tilespmem:$0x10A68] =	vst v0  }
0x45: {  	[tilespmem:$0x10A78] =	vst v0  }
0x46: {  	[tilespmem:$0x10A88] =	vst v0  }
0x47: {  	[tilespmem:$0x10A98] =	vst v0  }
0x48: {  	[tilespmem:$0x10AA8] =	vst v0  }
0x49: {  	[tilespmem:$0x10AB8] =	vst v0  }
0x4a: {  	[tilespmem:$0x10AC8] =	vst v0  }
0x4b: {  	[tilespmem:$0x10AD8] =	vst v0  }
0x4c: {  	[tilespmem:$0x10AE8] =	vst v0  }
0x4d: {  	[tilespmem:$0x10AF8] =	vst v0  }
0x4e: {  	[tilespmem:$0x10B08] =	vst v0  }
0x4f: {  	[tilespmem:$0x10B18] =	vst v0  }
0x50: {  	[tilespmem:$0x10B28] =	vst v0  }
0x51: {  	[tilespmem:$0x10B38] =	vst v0  }
0x52: {  	[tilespmem:$0x10B48] =	vst v0  }
0x53: {  	[tilespmem:$0x10B58] =	vst v0  }
0x54: {  	[tilespmem:$0x10B68] =	vst v0  }
0x55: {  	[tilespmem:$0x10B78] =	vst v0  }
0x56: {  	[tilespmem:$0x10B88] =	vst v0  }
0x57: {  	[tilespmem:$0x10B98] =	vst v0  }
0x58: {  	[tilespmem:$0x10BA8] =	vst v0  }
0x59: {  	[tilespmem:$0x10BB8] =	vst v0  }
0x5a: {  	[tilespmem:$0x10BC8] =	vst v0  }
0x5b: {  	[tilespmem:$0x10BD8] =	vst v0  }
0x5c: {  	[tilespmem:$0x10BE8] =	vst v0  }
0x5d: {  	[tilespmem:$0x10BF8] =	vst v0  }
0x5e: {  	[tilespmem:$0x10C08] =	vst v0  }
0x5f: {  	[tilespmem:$0x10C18] =	vst v0  }
0x60: {  	_ =	swait.ge [sflag:s17], $0x7D00  }
0x61: {  	s26 =	simm.s32 @!p0 $0x10;
	s28 =	simm.s32 @!p0 $0x80;
	[sflag:s17] =	ssyncset.done $0x0  }
0x62: {  	s29 =	simm.s32 @!p0 $0x1C03;
	s1 =	simm.s32 @!p0 $0x1;
	[sflag:s17] =	ssyncadd.s32 $0xFFFF8300  }
0x63: {  	[spmem:s18@s26], [sflag:s29] =	dma.strided @!p0 [hbm:s9@s28], $0x1E850, s1, $0x10   }
0x64: {  	s26 =	simm.s32 $0x0  }
.LBB2_3:
0x65: {  	s1 =	simm.s32 @!p0 $0x3  }
0x66: {  	_ =	swait.ge @!p0 [sflag:s1], $0x1E850  }
0x67: {  	p1 =	seq.s32 @!p0 s26, $0xF;
	[sflag:s1] =	ssyncset.done @!p0 $0x0  }
0x68: {  	p1 =	por p1, p0;
	[sflag:s1] =	ssyncadd.s32 @!p0 $0xFFFE17B0;
	s1 =	sadd.s32 s5, s26  }
0x69: {  	[bflag:$0x0] =	sbarrier.arrive $0xFFFF;
	s28 =	sadd.s32 @!p1 $0x1, s1  }
0x6a: {  	[tilespmem:s20], [sflag:$0x2] =	stream.indirect.gather [spmem:s2], $0x1, s13, s19, $0xb8;
	[tilespmem:$0x18C28] =	vst v63  }
0x6b: {  	s29 =	sshrl.u32 @!p1 s28, $0x3  }
0x6c: {  	s30 =	simm.s32 @!p1 $0x1;
	s28 =	sshll.u32 @!p1 s28, $0x7;
	s29 =	smul.u32 @!p1 $0x7A1400, s29  }
0x6d: {  	s31 =	simm.s32 @!p1 $0x10;
	_ =	swait.ge [sflag:s21], $0x800;
	s28 =	sand.u32 @!p1 $0x380, s28  }
0x6e: {  	s15 =	simm.s32 @!p1 $0x80;
	[sflag:s21] =	ssyncset.done $0x0;
	s28 =	sor.u32 @!p1 s28, s29  }
0x6f: {  	s16 =	simm.s32 @!p1 $0x1C03;
	[sflag:s21] =	ssyncadd.s32 $0xFFFFF800;
	s28 =	sshrl.u32 @!p1 s28, $0x3  }
0x70: {  	s29 =	sshrl.u32 @!p1 s2, $0x3;
	[bflag:$0x0] =	sbarrier.arrive $0xFFFF;
	s28 =	sadd.s32 @!p1 s0, s28  }
0x71: {  	[spmem:s29@s31], [sflag:s16] =	dma.strided @!p1 [hbm:s28@s15], $0x1E850, s30, $0x10   }
0x72: {  	s16 =	simm.s32 $0xFC28  }
0x73: {  	v2 =	vld [tilespmem:s16+$0x0];
	_ =	sdelay $0x4  }
0x74: {  	v1 =	vmov s1;
	v2 =	vshll.u32 v2, $0x5  }
0x75: {  	v2 =	vadd.s32 v1, v2;
	_ =	sdelay $0x1  }
0x76: {  	s16 =	simm.s32 $0x0  }
0x77: {  	s1 =	sand.u32 $0x3F0, s16  }
0x78: {  	v3 =	vld [tilespmem:s1+$0x10428]  }
0x79: {  	v2 =	vld.idx.msk [tilespmem:v2+s12+$0x0], $0xffff  }
0x7a: {  	s29 =	simm.s32 $0x10028  }
0x7b: {  	v4 =	vld [tilespmem:s29+$0x0];
	_ =	sdelay $0x2  }
0x7c: {  	s28 =	simm.s32 $0x10828;
	v2 =	vadd.f32 v3, v2  }
0x7d: {  	v3 =	vld [tilespmem:s28+$0x0]  }
0x7e: {  	v2 =	vsub.f32 v4, v2;
	_ =	sdelay $0x1  }
0x7f: {  	v2 =	vmul.f32 v2, v2;
	_ =	sdelay $0x1  }
0x80: {  	v2 =	vadd.f32 v2, v3;
	_ =	sdelay $0x1  }
0x81: {  	s31 =	simm.s32 $0xFC38;
	[tilespmem:s28+$0x0] =	vst v2  }
0x82: {  	s26 =	sadd.s32 $0x1, s26;
	s30 =	simm.s32 $0x10;
	s1 =	simm.s32 $0x20;
	v2 =	vld [tilespmem:s31+$0x0]  }
.LBB2_4:
0x83: {  	p1 =	seq.s32 s1, $0x3F0;
	_ =	sdelay $0x3  }
0x84: {  	v2 =	vshll.u32 v2, $0x5  }
0x85: {  	v2 =	vadd.s32 v1, v2;
	_ =	sdelay $0x4  }
0x86: {  	s15 =	sand.u32 $0x3F0, s30;
	s30 =	smov.u32 s1;
	v2 =	vld.idx.msk [tilespmem:v2+s12+$0x0], $0xffff  }
0x87: {  	v3 =	vld [tilespmem:s15+$0x10428]  }
0x88: {  	s29 =	sadd.s32 $0x10, s29  }
0x89: {  	v4 =	vld [tilespmem:s29+$0x0];
	_ =	sdelay $0x2  }
0x8a: {  	s28 =	sadd.s32 $0x10, s28;
	v2 =	vadd.f32 v3, v2  }
0x8b: {  	v3 =	vld [tilespmem:s28+$0x0]  }
0x8c: {  	v2 =	vsub.f32 v4, v2;
	_ =	sdelay $0x1  }
0x8d: {  	v2 =	vmul.f32 v2, v2  }
.Ltmp0:
0x8e: {  	(pc) =	sbr.rel @!p1 .LBB2_4-.Ltmp0, $3  }
0x8f: {  	v2 =	vadd.f32 v2, v3;
	_ =	sdelay $0x1  }
0x90: {  	s31 =	sadd.s32 $0x10, s31;
	[tilespmem:s28+$0x0] =	vst v2  }
0x91: {  	s1 =	sadd.s32 $0x10, s1;
	v2 =	vld [tilespmem:s31+$0x0]  }
0x92: {  	_ =	sdelay $0x3  }
0x93: {  	v2 =	vshll.u32 v2, $0x5  }
0x94: {  	v1 =	vadd.s32 v1, v2;
	_ =	sdelay $0x2  }
0x95: {  	s1 =	sand.u32 $0x3F0, s30  }
0x96: {  	v2 =	vld [tilespmem:s1+$0x10428]  }
0x97: {  	v1 =	vld.idx.msk [tilespmem:v1+s12+$0x0], $0xffff  }
0x98: {  	s30 =	sadd.s32 $0x10, s29  }
0x99: {  	v3 =	vld [tilespmem:s30+$0x0];
	_ =	sdelay $0x2  }
0x9a: {  	s31 =	sadd.s32 $0x10, s28;
	v1 =	vadd.f32 v2, v1  }
0x9b: {  	v2 =	vld [tilespmem:s31+$0x0]  }
0x9c: {  	v1 =	vsub.f32 v3, v1;
	_ =	sdelay $0x1  }
0x9d: {  	v1 =	vmul.f32 v1, v1;
	_ =	sdelay $0x1  }
0x9e: {  	v1 =	vadd.f32 v1, v2;
	_ =	sdelay $0x1  }
0x9f: {  	[tilespmem:s31+$0x0] =	vst v1  }
0xa0: {  	p1 =	seq.s32 s26, $0x10  }
.Ltmp1:
0xa1: {  	_ = 	snop;
	(pc) =	sbr.rel @!p1 .LBB2_3-.Ltmp1, $1  }
0xa2: {  	_ =	sdelay $0x3  }
0xa3: {  	s25 =	sadd.s32 $0x1, s25  }
0xa4: {  	p1 =	sne.s32 s25, s11  }
.Ltmp2:
0xa5: {  	_ = 	snop;
	(pc) =	sbr.rel @p1 .LBB2_1-.Ltmp2, $4  }
0xa6: {  	[hbm4b:s10+s22] =	stream.strided.scatter [tilespmem:s24], [sflag:$0x4], $0x400, s23, s22, $0x38;
	[tilespmem:$0x18C28] =	vst v63  }
0xa7: {  	_ =	swait.ge [sflag:s14], $0x400  }
0xa8: {  	[sflag:s14] =	ssyncset.done $0x0  }
0xa9: {  	[sflag:s14] =	ssyncadd.s32 $0xFFFFFC00  }
0xaa: {  	_ =	sfence.sel $0x180000  }
0xab: {  	[bflag:$0x0] =	sbarrier.arrive $0xFFFF  }
0xac: {  	_ =	strace $0x90000047  }
0xad: {  	[bflag:$0x2] =	sbarrier.arrive $0xFFFF  }
0xae: {  	s0 =	rddreg [dreg:$0x6]  }
0xaf: {  	s0 =	sadd.s32 @!p0 $0x100000, s0  }
0xb0: {  	[sflag:s0] =	ssyncadd.tile.s32 @!p0 $0x1;
	_ =	shalt  }
.Lfunc_end2:
_tile_overlayer_lowered:
.L_overlay_start_2:
0xb1: {  	(tag) =	ssettag $0x2  }
0xb2: {  	s0 =	rddreg [dreg:$0x0];
	s2 =	stileid.u32  }
0xb3: {  	s1 =	rddreg [dreg:$0x1];
	p0 =	sne.s32 s2, $0x0  }
0xb4: {  	s3 =	rddreg [dreg:$0x2];
	[bflag:$0x3] =	sbarrier.arrive $0xFFFF;
	s2 =	simm.s32 @!p0 $0x1C04  }
0xb5: {  	[timem:s3], [sflag:s2] =	dma.local @!p0 [hbm:s0], s1  }
0xb6: {  	s0 =	simm.s32 @!p0 $0x4  }
0xb7: {  	_ =	swait.ge @!p0 [sflag:s0], s1  }
0xb8: {  	s1 =	ssub.s32 @!p0 $0x0, s1;
	[sflag:s0] =	ssyncset.done @!p0 $0x0  }
0xb9: {  	[sflag:s0] =	ssyncadd.s32 @!p0 s1  }
0xba: {  	[bflag:$0x3] =	sbarrier.arrive $0xFFFF  }
0xbb: {  	_ =	shalt  }

// kernel: kernel.7.cloned.1.call-start
scs
__scs_entry_jumppad:
0x0: {  	(pc) =	sbr.rel $0x88, $3  }
0x1: {  	(tag) =	ssettag $0x0;
	lr =	simm.s32 $0x1  }
0x2: {  	[smem:$0x3F9C] =	sst lr;
	_ =	strace $0xD0000000  }
0x3: {  	_ = 	snop  }
0x4: {  	_ = 	snop  }
0x5: {  	_ = 	snop  }
0x6: {  	_ = 	snop  }
0x7: {  	_ = 	snop  }
__scs_overlays_trampoline_lowered:
0x8: {  	[smem:$0x3FAB] =	sst s0  }
0x9: {  	[smem:$0x3FAC] =	sst s1  }
0xa: {  	[smem:$0x3FAD] =	sst s2  }
0xb: {  	[smem:$0x3FAE] =	sst s3  }
0xc: {  	[smem:$0x3FAF] =	sst s4  }
0xd: {  	[smem:$0x3FB0] =	sst s5  }
0xe: {  	[smem:$0x3FB1] =	sst s6  }
0xf: {  	[smem:$0x3FB2] =	sst s7  }
0x10: {  	[smem:$0x3FB3] =	sst s8  }
0x11: {  	[smem:$0x3FB4] =	sst s9;
	s0 =	simm.s32 @!p0 $0x0  }
0x12: {  	s1 =	sld [smem:$0x3F9A];
	s0 =	simm.s32 @p0 $0x1  }
0x13: {  	[smem:$0x3FB5] =	sst s0;
	s0 =	simm.s32 @!p1 $0x0  }
0x14: {  	s2 =	sld [smem:$0x3F99];
	s0 =	simm.s32 @p1 $0x1  }
0x15: {  	[smem:$0x3FB6] =	sst s0;
	s0 =	simm.s32 @!p2 $0x0  }
0x16: {  	s3 =	sld [smem:$0x3FDB];
	s0 =	simm.s32 @p2 $0x1  }
0x17: {  	s4 =	simm.s32 $0x1BF5;
	[smem:$0x3FB8] =	sst s0  }
0x18: {  	s0 =	sld [smem:$0x3F9B];
	_ =	swait.ge [sflag:s4], $0x0  }
0x19: {  	s7 =	sld [smem:$0x3F9C]  }
0x1a: {  	s8 =	sadd.s32 $0xFFFFE003, lr  }
0x1b: {  	s9 =	sadd.s32 $0xFFFFFEF7, lr;
	s5 =	simm.s32 $0xFFFFFFFF;
	p2 =	slt.u32 s8, $0xFFFFF086  }
0x1c: {  	p1 =	slt.u32 s9, $0xF7A;
	s5 =	simm.s32 @!p2 $0x0  }
0x1d: {  	s5 =	simm.s32 @p1 $0x1;
	p0 =	seq.s32 s7, s2  }
0x1e: {  	s7 =	smul.u32 @!p0 $0xF7A, s2;
	p2 =	seq.s32 @!p0 s5, $0x0  }
0x1f: {  	s9 =	smul.u32 $0xF7A, s1;
	s8 =	simm.s32 @!p0 $0x1BF5;
	p2 =	por !p2, p0  }
0x20: {  	[sflag:s8] =	ssyncset.s32 @!p0 $0xFFFFF086;
	s6 =	sadd.s32 @!p0 s3, s7;
	s7 =	simm.s32 @!p0 $0x108  }
0x21: {  	s3 =	sadd.s32 s3, s9;
	s6 =	sadd.s32 @!p0 $0x88, s6;
	s7 =	simm.s32 @p2 $0x1082  }
0x22: {  	[simem:s7], [sflag:s8] =	dma.local @!p0 [hbm:s6], $0xF7A  }
0x23: {  	s9 =	sor.u32 $0xD0000000, s2;
	s6 =	simm.s32 $0x108;
	_ =	swait.ge @!p0 [sflag:s8], $0x0  }
0x24: {  	s3 =	sadd.s32 $0x88, s3;
	s6 =	simm.s32 @!p1 $0x1082;
	[sflag:s4] =	ssyncset.s32 $0xFFFFF086  }
0x25: {  	[simem:s6], [sflag:s4] =	dma.local [hbm:s3], $0xF7A  }
0x26: {  	[smem:$0x3F9C] =	sst s1;
	(tag) =	ssettag s2;
	_ =	strace s9  }
0x27: {  	s1 =	sld [smem:$0x3FAC]  }
0x28: {  	s2 =	sld [smem:$0x3FAD]  }
0x29: {  	s4 =	sld [smem:$0x3FAF]  }
0x2a: {  	p0 =	seq.s32 s5, $0x0;
	s5 =	sld [smem:$0x3FB0]  }
0x2b: {  	s6 =	sld [smem:$0x3FB1]  }
0x2c: {  	s7 =	sld [smem:$0x3FB2]  }
0x2d: {  	s3 =	simm.s32 $0x108;
	s8 =	sld [smem:$0x3FB3]  }
0x2e: {  	s3 =	simm.s32 @!p0 $0x1082;
	s9 =	sld [smem:$0x3FB4]  }
0x2f: {  	lr =	sadd.s32 s0, s3;
	s0 =	sld [smem:$0x3FAB]  }
0x30: {  	s3 =	sld [smem:$0x3FAE]  }
0x31: {  	[smem:$0x3FB7] =	sst s10  }
0x32: {  	s10 =	sld [smem:$0x3FB5];
	_ =	sdelay $0x3  }
0x33: {  	p0 =	seq.s32 s10, $0x1;
	s10 =	sld [smem:$0x3FB7];
	_ =	sdelay $0x3  }
0x34: {  	[smem:$0x3FB7] =	sst s10  }
0x35: {  	s10 =	sld [smem:$0x3FB6];
	_ =	sdelay $0x3  }
0x36: {  	p1 =	seq.s32 s10, $0x1;
	s10 =	sld [smem:$0x3FB7];
	_ =	sdelay $0x3  }
0x37: {  	[smem:$0x3FB7] =	sst s10  }
0x38: {  	s10 =	sld [smem:$0x3FB8]  }
0x39: {  	_ = 	snop;
	(pc) =	sbr.ind lr, $3  }
0x3a: {  	_ = 	snop  }
0x3b: {  	_ = 	snop  }
0x3c: {  	p2 =	seq.s32 s10, $0x1;
	s10 =	sld [smem:$0x3FB7]  }
0x3d: {  	_ =	shalt  }
0x3e: {  	_ =	shalt  }
0x3f: {  	_ =	shalt  }
0x40: {  	_ =	shalt  }
0x41: {  	_ =	shalt  }
0x42: {  	_ =	shalt  }
0x43: {  	_ =	shalt  }
0x44: {  	_ =	shalt  }
0x45: {  	_ =	shalt  }
0x46: {  	_ =	shalt  }
0x47: {  	_ =	shalt  }
0x48: {  	_ =	shalt  }
0x49: {  	_ =	shalt  }
0x4a: {  	_ =	shalt  }
0x4b: {  	_ =	shalt  }
0x4c: {  	_ =	shalt  }
0x4d: {  	_ =	shalt  }
0x4e: {  	_ =	shalt  }
0x4f: {  	_ =	shalt  }
0x50: {  	_ =	shalt  }
0x51: {  	_ =	shalt  }
0x52: {  	_ =	shalt  }
0x53: {  	_ =	shalt  }
0x54: {  	_ =	shalt  }
0x55: {  	_ =	shalt  }
0x56: {  	_ =	shalt  }
0x57: {  	_ =	shalt  }
0x58: {  	_ =	shalt  }
0x59: {  	_ =	shalt  }
0x5a: {  	_ =	shalt  }
0x5b: {  	_ =	shalt  }
0x5c: {  	_ =	shalt  }
0x5d: {  	_ =	shalt  }
0x5e: {  	_ =	shalt  }
0x5f: {  	_ =	shalt  }
0x60: {  	_ =	shalt  }
0x61: {  	_ =	shalt  }
0x62: {  	_ =	shalt  }
0x63: {  	_ =	shalt  }
0x64: {  	_ =	shalt  }
0x65: {  	_ =	shalt  }
0x66: {  	_ =	shalt  }
0x67: {  	_ =	shalt  }
0x68: {  	_ =	shalt  }
0x69: {  	_ =	shalt  }
0x6a: {  	_ =	shalt  }
0x6b: {  	_ =	shalt  }
0x6c: {  	_ =	shalt  }
0x6d: {  	_ =	shalt  }
0x6e: {  	_ =	shalt  }
0x6f: {  	_ =	shalt  }
0x70: {  	_ =	shalt  }
0x71: {  	_ =	shalt  }
0x72: {  	_ =	shalt  }
0x73: {  	_ =	shalt  }
0x74: {  	_ =	shalt  }
0x75: {  	_ =	shalt  }
0x76: {  	_ =	shalt  }
0x77: {  	_ =	shalt  }
0x78: {  	_ =	shalt  }
0x79: {  	_ =	shalt  }
0x7a: {  	_ =	shalt  }
0x7b: {  	_ =	shalt  }
0x7c: {  	_ =	shalt  }
0x7d: {  	_ =	shalt  }
0x7e: {  	_ =	shalt  }
0x7f: {  	_ =	shalt  }
0x80: {  	_ =	shalt  }
0x81: {  	_ =	shalt  }
0x82: {  	_ =	shalt  }
0x83: {  	_ =	shalt  }
0x84: {  	_ =	shalt  }
0x85: {  	_ =	shalt  }
0x86: {  	_ =	shalt  }
0x87: {  	_ =	shalt  }
.Lfunc_end0:
.L_simem_size_0:
called_computation.1_lowered:
.L_overlay_start_0:
0x88: {  	s2 =	sld [smem:$0x3FD9]  }
0x89: {  	s3 =	sld [smem:$0x3FFE];
	_ =	sdelay $0x1  }
0x8a: {  	s1 =	srdreg.scid  }
0x8b: {  	s0 =	sand.u32 $0x1, s1  }
0x8c: {  	s17 =	sshll.u32 s0, $0xA;
	s2 =	sadd.s32 s3, s2  }
0x8d: {  	s2 =	sadd.s32 s2, s17  }
0x8e: {  	[smem:$0x3FC3] =	sst s2  }
0x8f: {  	_ = 	snop  }
0x90: {  	s2 =	sld [smem:$0x3FD0];
	(tm) =	ssettm $0x1  }
0x91: {  	s18 =	sld [smem:$0x3FFB];
	_ =	sdelay $0x3  }
0x92: {  	_ =	strace s18  }
0x93: {  	s3 =	sld [smem:$0x3FFC];
	_ =	sdelay $0x3  }
0x94: {  	_ =	strace s3  }
0x95: {  	s3 =	sld [smem:$0x3FFD];
	_ =	sdelay $0x3  }
0x96: {  	_ =	strace s3  }
0x97: {  	_ =	strace $0x8FFFFFFF  }
0x98: {  	s19 =	sld [smem:$0x3FDB];
	_ =	sdelay $0x1  }
0x99: {  	s4 =	simm.s32 $_scs_section_size  }
0x9a: {  	s5 =	simm.s32 $_size__tile_overlayer_lowered;
	s6 =	simm.s32 $_tile_overlayer_lowered  }
0x9b: {  	s22 =	simm.s32 $0x1BFF;
	s21 =	sshll.u32 s6, $0x1;
	s3 =	sadd.s32 s4, s19  }
0x9c: {  	s7 =	simm.s32 $0x0;
	s20 =	sshll.u32 s5, $0x1;
	s5 =	sadd.s32 s21, s3  }
0x9d: {  	[timem:s7], [sflag:s22] =	dma.local [hbm:s5], s20  }
0x9e: {  	_ =	swait.ge [sflag:s22], s20  }
0x9f: {  	s4 =	ssub.s32 $0x0, s20;
	[sflag:s22] =	ssyncset.done $0x0  }
0xa0: {  	[sflag:s22] =	ssyncadd.s32 s4;
	_ =	sdelay $0x1  }
0xa1: {  	s23 =	simm.s32 $0x1B8B  }
0xa2: {  	_ =	swait.ge [sflag:s23], $0x1  }
0xa3: {  	[sflag:s23] =	ssyncset.done $0x0  }
0xa4: {  	s25 =	simm.s32 $0x1B8E;
	s24 =	sld [smem:$0x3FFE];
	[sflag:s23] =	ssyncadd.s32 $0xFFFFFFFF  }
0xa5: {  	s26 =	simm.s32 $execute0_lowered;
	[smem:$0x3FD2] =	sst s25  }
0xa6: {  	s5 =	sshll.u32 s26, $0x1;
	_ =	strace $0x80000049;
	[dreg:$0x1] =	wrdreg $0xFFFFFFFF  }
0xa7: {  	s28 =	simm.s32 $_size_execute0_lowered;
	s3 =	sadd.s32 s3, s5;
	[dreg:$0x0] =	wrdreg $0x0  }
0xa8: {  	s5 =	sshll.u32 s28, $0x1;
	[dreg:$0x2] =	wrdreg s3  }
0xa9: {  	[dreg:$0x3] =	wrdreg s5  }
0xaa: {  	[dreg:$0x4] =	wrdreg $0xC0  }
0xab: {  	_ =	task [dreg:s7], $0x5FFFF  }
0xac: {  	[dreg:$0x1] =	wrdreg $0xFFFFFFFF  }
0xad: {  	[dreg:$0x0] =	wrdreg $0x60  }
0xae: {  	[dreg:$0x2] =	wrdreg s24  }
0xaf: {  	[dreg:$0x3] =	wrdreg s2  }
0xb0: {  	[dreg:$0x4] =	wrdreg $0x9  }
0xb1: {  	_ =	task.clear_ibuf [dreg:s7], $0x5FFFF;
	_ =	strace $0x90000049  }
0xb2: {  	s29 =	simm.s32 $0x9;
	_ =	strace $0x8000004B  }
0xb3: {  	_ =	swait.ge [sflag:s29], $0x1  }
0xb4: {  	[sflag:s29] =	ssyncadd.s32 $0xFFFFFFFF  }
0xb5: {  	_ =	strace $0x9000004B  }
0xb6: {  	_ =	sfence  }
0xb7: {  	s30 =	sld [smem:$0x0];
	_ =	sdelay $0x2  }
0xb8: {  	s31 =	sshll.u32 s1, $0xD;
	s1 =	sshrl.u32 s1, $0x2  }
0xb9: {  	s3 =	sand.u32 $0x4000, s31;
	s1 =	sadd.s32 s1, s30  }
0xba: {  	s0 =	sor.u32 s3, s0;
	s1 =	sshll.u32 s1, $0x11  }
0xbb: {  	s0 =	sor.u32 s1, s0  }
0xbc: {  	s0 =	sadd.s32 $0x8F2B, s0  }
0xbd: {  	[sflag:s0] =	ssyncadd.remote.s32 $0x1  }
0xbe: {  	_ =	sfence.sel $0xFFFF  }
0xbf: {  	[dreg:$0x0] =	wrdreg $0xFFFFFFFF;
	(pc) =	sbr.abs _section_cstart, $3  }
0xc0: {  	[dreg:$0x1] =	wrdreg $0xFFFFFFFF  }
0xc1: {  	_ =	task.clear_ibuf [dreg:s7], $0x2FFFF;
	_ =	strace $0x9FFFFFFF  }
0xc2: {  	(tm) =	ssettm $0x7FFFFFFF  }
0xc3: {  	_ =	shalt  }
tec
execute0_lowered:
.L_overlay_start_1:
0x0: {  	(tag) =	ssettag $0x1  }
0x1: {  	s3 =	rddreg [dreg:$0x0]  }
0x2: {  	s5 =	rddreg [dreg:$0x1];
	s2 =	srdreg.scid  }
0x3: {  	s0 =	rddreg [dreg:$0x2];
	s1 =	stileid.u32;
	s9 =	simm.s32 $0x1  }
0x4: {  	s10 =	simm.s32 $0x200;
	s11 =	simm.s32 $0x400;
	s4 =	sand.u32 $0x1, s2  }
0x5: {  	s2 =	simm.s32 $0x0;
	s6 =	sshll.u32 s1, $0xA;
	s7 =	sshll.u32 s4, $0x9  }
0x6: {  	[smem:$0x7FF] =	sst s2;
	s4 =	ssub.s32 $0x2, s4;
	s6 =	sor.u32 s7, s6  }
0x7: {  	_ =	strace $0x8000004A;
	s8 =	sshrl.u32 s4, $0x1;
	s7 =	sshrl.u32 s6, $0x2  }
0x8: {  	s8 =	ssub.s32 s4, s8;
	s6 =	sshrl.u32 s6, $0x3;
	s7 =	sadd.s32 s7, s3  }
0x9: {  	s5 =	sadd.s32 s5, s6;
	s6 =	smax.u32 s8, $0x1;
	s8 =	simm.s32 $0x100  }
0xa: {  	s3 =	sadd.s32 $0x1800, s7;
	s4 =	sadd.s32 $0x1810, s7;
	s7 =	simm.s32 $0x80  }
.LBB2_1:
0xb: {  	[tilespmem:s2], [sflag:$0x1] =	stream.strided.gather [hbm4b:s3+s7], $0x200, s8, s7, $0x38;
	[tilespmem:$0x600] =	vst v63  }
0xc: {  	_ =	swait.ge [sflag:s9], $0x200  }
0xd: {  	[sflag:s9] =	ssyncset.done $0x0  }
0xe: {  	[sflag:s9] =	ssyncadd.s32 $0xFFFFFE00  }
0xf: {  	[tilespmem:s10], [sflag:$0x1] =	stream.strided.gather [hbm4b:s4+s7], $0x200, s8, s7, $0x38;
	[tilespmem:$0x600] =	vst v63  }
0x10: {  	_ =	swait.ge [sflag:s9], $0x200  }
0x11: {  	[sflag:s9] =	ssyncset.done $0x0  }
0x12: {  	[sflag:s9] =	ssyncadd.s32 $0xFFFFFE00  }
0x13: {  	v0 =	vld [tilespmem:$0x0]  }
0x14: {  	v1 =	vld [tilespmem:$0x200]  }
0x15: {  	v2 =	vld [tilespmem:$0x10]  }
0x16: {  	v3 =	vld [tilespmem:$0x210]  }
0x17: {  	v4 =	vld [tilespmem:$0x20]  }
0x18: {  	v5 =	vld [tilespmem:$0x220]  }
0x19: {  	v6 =	vld [tilespmem:$0x30]  }
0x1a: {  	v7 =	vld [tilespmem:$0x230]  }
0x1b: {  	v8 =	vld [tilespmem:$0x40]  }
0x1c: {  	v9 =	vld [tilespmem:$0x240]  }
0x1d: {  	v10 =	vld [tilespmem:$0x50]  }
0x1e: {  	v11 =	vld [tilespmem:$0x250]  }
0x1f: {  	v12 =	vld [tilespmem:$0x60]  }
0x20: {  	v13 =	vld [tilespmem:$0x260]  }
0x21: {  	v14 =	vld [tilespmem:$0x70]  }
0x22: {  	v15 =	vld [tilespmem:$0x270]  }
0x23: {  	v16 =	vld [tilespmem:$0x80]  }
0x24: {  	v17 =	vld [tilespmem:$0x280]  }
0x25: {  	v18 =	vld [tilespmem:$0x90]  }
0x26: {  	v19 =	vld [tilespmem:$0x290]  }
0x27: {  	v20 =	vld [tilespmem:$0xA0]  }
0x28: {  	v21 =	vld [tilespmem:$0x2A0]  }
0x29: {  	v22 =	vld [tilespmem:$0xB0]  }
0x2a: {  	v23 =	vld [tilespmem:$0x2B0]  }
0x2b: {  	v24 =	vld [tilespmem:$0xC0]  }
0x2c: {  	v25 =	vld [tilespmem:$0x2C0]  }
0x2d: {  	v26 =	vld [tilespmem:$0xD0]  }
0x2e: {  	v27 =	vld [tilespmem:$0x2D0]  }
0x2f: {  	v28 =	vld [tilespmem:$0xE0]  }
0x30: {  	v29 =	vld [tilespmem:$0x2E0]  }
0x31: {  	v30 =	vld [tilespmem:$0xF0]  }
0x32: {  	v31 =	vld [tilespmem:$0x2F0]  }
0x33: {  	v32 =	vld [tilespmem:$0x100]  }
0x34: {  	v33 =	vld [tilespmem:$0x300]  }
0x35: {  	v34 =	vld [tilespmem:$0x110]  }
0x36: {  	v35 =	vld [tilespmem:$0x310]  }
0x37: {  	v36 =	vld [tilespmem:$0x120]  }
0x38: {  	v44 =	vld [tilespmem:$0x360];
	v0 =	vadd.f32 v1, v0;
	v2 =	vadd.f32 v3, v2  }
0x39: {  	v47 =	vld [tilespmem:$0x170];
	v4 =	vadd.f32 v5, v4;
	v6 =	vadd.f32 v7, v6  }
0x3a: {  	v50 =	vld [tilespmem:$0x370];
	v62 =	vadd.f32 v9, v8;
	v0 =	vsub.f32 $0.0e+00, v0  }
0x3b: {  	v53 =	vld [tilespmem:$0x180];
	v37 =	vadd.f32 v11, v10;
	v2 =	vsub.f32 $0.0e+00, v2  }
0x3c: {  	v56 =	vld [tilespmem:$0x380];
	v39 =	vadd.f32 v13, v12;
	v61 =	vsub.f32 $0.0e+00, v4;
	[tilespmem:$0x400] =	vst v0  }
0x3d: {  	v59 =	vld [tilespmem:$0x190];
	v41 =	vadd.f32 v15, v14;
	v63 =	vsub.f32 $0.0e+00, v6;
	[tilespmem:$0x410] =	vst v2  }
0x3e: {  	v1 =	vld [tilespmem:$0x320];
	v43 =	vadd.f32 v17, v16;
	v38 =	vsub.f32 $0.0e+00, v62;
	[tilespmem:$0x420] =	vst v61  }
0x3f: {  	v3 =	vld [tilespmem:$0x130];
	v46 =	vadd.f32 v19, v18;
	v40 =	vsub.f32 $0.0e+00, v37;
	[tilespmem:$0x430] =	vst v63  }
0x40: {  	v5 =	vld [tilespmem:$0x330];
	v49 =	vadd.f32 v21, v20;
	v42 =	vsub.f32 $0.0e+00, v39;
	[tilespmem:$0x440] =	vst v38  }
0x41: {  	v7 =	vld [tilespmem:$0x140];
	v52 =	vadd.f32 v23, v22;
	v45 =	vsub.f32 $0.0e+00, v41;
	[tilespmem:$0x450] =	vst v40  }
0x42: {  	v8 =	vld [tilespmem:$0x340];
	v55 =	vadd.f32 v25, v24;
	v48 =	vsub.f32 $0.0e+00, v43;
	[tilespmem:$0x460] =	vst v42  }
0x43: {  	v9 =	vld [tilespmem:$0x150];
	v58 =	vadd.f32 v27, v26;
	v51 =	vsub.f32 $0.0e+00, v46;
	[tilespmem:$0x470] =	vst v45  }
0x44: {  	v10 =	vld [tilespmem:$0x350];
	v24 =	vadd.f32 v31, v30;
	v54 =	vsub.f32 $0.0e+00, v49;
	[tilespmem:$0x480] =	vst v48  }
0x45: {  	v11 =	vld [tilespmem:$0x160];
	v27 =	vadd.f32 v33, v32;
	v57 =	vsub.f32 $0.0e+00, v52;
	[tilespmem:$0x490] =	vst v51  }
0x46: {  	v25 =	vld [tilespmem:$0x1A0];
	v30 =	vadd.f32 v35, v34;
	v60 =	vsub.f32 $0.0e+00, v55;
	[tilespmem:$0x4A0] =	vst v54  }
0x47: {  	v31 =	vld [tilespmem:$0x1B0];
	v32 =	vsub.f32 $0.0e+00, v27;
	[tilespmem:$0x4B0] =	vst v57  }
0x48: {  	v33 =	vld [tilespmem:$0x3B0];
	v34 =	vsub.f32 $0.0e+00, v30;
	v46 =	vadd.f32 v50, v47;
	[tilespmem:$0x4C0] =	vst v60  }
0x49: {  	v35 =	vld [tilespmem:$0x1C0];
	v49 =	vadd.f32 v56, v53;
	v63 =	vsub.f32 $0.0e+00, v58;
	[tilespmem:$0x500] =	vst v32  }
0x4a: {  	v62 =	vld [tilespmem:$0x390];
	v61 =	vadd.f32 v29, v28;
	v29 =	vsub.f32 $0.0e+00, v24;
	[tilespmem:$0x510] =	vst v34  }
0x4b: {  	v41 =	vld [tilespmem:$0x1D0];
	v51 =	vsub.f32 $0.0e+00, v46;
	[tilespmem:$0x4D0] =	vst v63  }
0x4c: {  	v47 =	vld [tilespmem:$0x1E0];
	v54 =	vsub.f32 $0.0e+00, v49;
	v1 =	vadd.f32 v1, v36;
	[tilespmem:$0x4F0] =	vst v29  }
0x4d: {  	v50 =	vld [tilespmem:$0x3E0];
	v3 =	vadd.f32 v5, v3;
	v26 =	vsub.f32 $0.0e+00, v61;
	[tilespmem:$0x570] =	vst v51  }
0x4e: {  	v53 =	vld [tilespmem:$0x1F0];
	v37 =	vadd.f32 v8, v7;
	[tilespmem:$0x580] =	vst v54;
	v36 =	vsub.f32 $0.0e+00, v1  }
0x4f: {  	v56 =	vld [tilespmem:$0x3F0];
	v40 =	vadd.f32 v10, v9;
	v39 =	vsub.f32 $0.0e+00, v3;
	[tilespmem:$0x4E0] =	vst v26  }
0x50: {  	v28 =	vld [tilespmem:$0x3A0];
	v43 =	vadd.f32 v44, v11;
	v42 =	vsub.f32 $0.0e+00, v37;
	[tilespmem:$0x520] =	vst v36  }
0x51: {  	v38 =	vld [tilespmem:$0x3C0];
	v57 =	vadd.f32 v33, v31;
	v45 =	vsub.f32 $0.0e+00, v40;
	[tilespmem:$0x530] =	vst v39  }
0x52: {  	v44 =	vld [tilespmem:$0x3D0];
	v48 =	vsub.f32 $0.0e+00, v43;
	v52 =	vadd.f32 v62, v59;
	[tilespmem:$0x540] =	vst v42  }
0x53: {  	v2 =	vsub.f32 $0.0e+00, v57;
	v60 =	vadd.f32 v50, v47;
	[tilespmem:$0x550] =	vst v45  }
0x54: {  	v61 =	vadd.f32 v56, v53;
	[tilespmem:$0x560] =	vst v48;
	v3 =	vsub.f32 $0.0e+00, v52  }
0x55: {  	v55 =	vadd.f32 v28, v25;
	[tilespmem:$0x5B0] =	vst v2;
	v62 =	vsub.f32 $0.0e+00, v60  }
0x56: {  	v58 =	vadd.f32 v38, v35;
	v63 =	vsub.f32 $0.0e+00, v61;
	[tilespmem:$0x590] =	vst v3  }
0x57: {  	v59 =	vadd.f32 v44, v41;
	v1 =	vsub.f32 $0.0e+00, v55;
	[tilespmem:$0x5E0] =	vst v62  }
0x58: {  	v0 =	vsub.f32 $0.0e+00, v58;
	[tilespmem:$0x5F0] =	vst v63  }
0x59: {  	v3 =	vsub.f32 $0.0e+00, v59;
	[tilespmem:$0x5A0] =	vst v1  }
0x5a: {  	p0 =	sne.s32 s6, $0x1;
	[tilespmem:$0x5C0] =	vst v0  }
.Ltmp0:
0x5b: {  	[tilespmem:$0x5D0] =	vst v3;
	(pc) =	sbr.rel @p0 .LBB2_1-.Ltmp0, $4  }
0x5c: {  	[hbm4b:s5+s2] =	stream.linear.scatter [tilespmem:s11], [sflag:$0x1], $0x200, $0x38;
	[tilespmem:$0x600] =	vst v63  }
0x5d: {  	_ =	swait.ge [sflag:s9], $0x200  }
0x5e: {  	[sflag:s9] =	ssyncset.done $0x0  }
0x5f: {  	s6 =	sadd.s32 $0xFFFFFFFF, s6;
	[sflag:s9] =	ssyncadd.s32 $0xFFFFFE00  }
0x60: {  	_ =	sfence.sel $0x180000  }
0x61: {  	[bflag:$0x0] =	sbarrier.arrive $0xFFFF  }
0x62: {  	p0 =	sne.s32 s1, $0x0;
	_ =	strace $0x9000004A  }
0x63: {  	s0 =	sadd.s32 @!p0 $0x100000, s0;
	[bflag:$0x2] =	sbarrier.arrive $0xFFFF  }
0x64: {  	[sflag:s0] =	ssyncadd.tile.s32 @!p0 $0x1;
	_ =	shalt  }
.Lfunc_end2:
_tile_overlayer_lowered:
.L_overlay_start_2:
0x65: {  	(tag) =	ssettag $0x2  }
0x66: {  	s0 =	rddreg [dreg:$0x0];
	s2 =	stileid.u32  }
0x67: {  	s1 =	rddreg [dreg:$0x1];
	p0 =	sne.s32 s2, $0x0  }
0x68: {  	s3 =	rddreg [dreg:$0x2];
	[bflag:$0x3] =	sbarrier.arrive $0xFFFF;
	s2 =	simm.s32 @!p0 $0x1C01  }
0x69: {  	[timem:s3], [sflag:s2] =	dma.local @!p0 [hbm:s0], s1  }
0x6a: {  	s0 =	simm.s32 @!p0 $0x1  }
0x6b: {  	_ =	swait.ge @!p0 [sflag:s0], s1  }
0x6c: {  	s1 =	ssub.s32 @!p0 $0x0, s1;
	[sflag:s0] =	ssyncset.done @!p0 $0x0  }
0x6d: {  	[sflag:s0] =	ssyncadd.s32 @!p0 s1  }
0x6e: {  	[bflag:$0x3] =	sbarrier.arrive $0xFFFF  }
0x6f: {  	_ =	shalt  }

</sc_bundles>
